<compile_context>
chip_gen: v7x
topology: tpu7x:2x2x1
jax: 0.10.2.dev20260603
libtpu: 0.0.44.dev20260713+nightly
codegen_flags: <defaults>
</compile_context>

<pallas_src>
import dataclasses
import functools

import jax
import jax.numpy as jnp
from jax import lax
from jax.experimental import pallas as pl
from jax.experimental.pallas import tpu as pltpu
from jax.experimental.pallas import tpu_sc as plsc

E = 320000
N = 10000
D = 128
D2 = D // 2
LANES = 16
NWORKER = 32
SPAN = E // NWORKER
CHUNK = 400
NCHUNK = SPAN // CHUNK
SUB = (400,)


def _dot_chunk(u_rows, i_rows, out_b):
    UNROLL = 16

    @pl.loop(0, CHUNK, step=LANES)
    def _(e0):
        lane = lax.iota(jnp.int32, LANES)
        rows = e0 + lane

        def dstep(k, accs):
            accs = list(accs)
            d0 = k * UNROLL
            for j in range(UNROLL):
                col = (lane + (d0 + j)) & (D2 - 1)
                pu = plsc.load_gather(u_rows, [rows, col])
                pi = plsc.load_gather(i_rows, [rows, col])
                lo_u = plsc.bitcast(pu << 16, jnp.float32)
                lo_i = plsc.bitcast(pi << 16, jnp.float32)
                hi_u = plsc.bitcast(pu, jnp.float32)
                hi_i = plsc.bitcast(pi, jnp.float32)
                accs[(2 * j) % 4] = accs[(2 * j) % 4] + lo_u * lo_i
                accs[(2 * j + 1) % 4] = accs[(2 * j + 1) % 4] + hi_u * hi_i
            return tuple(accs)

        zero = jnp.zeros((LANES,), jnp.float32)
        accs = lax.fori_loop(0, D2 // UNROLL, dstep, (zero, zero, zero, zero))
        out_b[pl.ds(e0, LANES)] = (accs[0] + accs[1]) + (accs[2] + accs[3])


def _sc_dot_kernel(
    u_hbm, i_hbm, s_hbm, d_hbm, o_hbm,
    sidx, didx, u0, i0, u1, i1, out0, out1,
    sem_idx, su0, si0, su1, si1, so0, so1,
):
    w = lax.axis_index("core") * 16 + lax.axis_index("subcore")
    base = w * SPAN

    pltpu.async_copy(s_hbm.at[pl.ds(base, SPAN)], sidx, sem_idx).wait()
    pltpu.async_copy(d_hbm.at[pl.ds(base, SPAN)], didx, sem_idx).wait()

    def fire(t, u_buf, i_buf, sem_u, sem_i):
        off = 0
        for sub in SUB:
            pltpu.async_copy(
                u_hbm.at[sidx.at[pl.ds(t * CHUNK + off, sub)]],
                u_buf.at[pl.ds(off, sub)], sem_u)
            pltpu.async_copy(
                i_hbm.at[didx.at[pl.ds(t * CHUNK + off, sub)]],
                i_buf.at[pl.ds(off, sub)], sem_i)
            off += sub

    def drain(u_buf, i_buf, sem_u, sem_i):
        pltpu.make_async_copy(u_hbm.at[sidx.at[pl.ds(0, CHUNK)]], u_buf, sem_u).wait()
        pltpu.make_async_copy(i_hbm.at[didx.at[pl.ds(0, CHUNK)]], i_buf, sem_i).wait()

    def fire_out(t, out_b, sem_o):
        pltpu.async_copy(out_b, o_hbm.at[pl.ds(base + t * CHUNK, CHUNK)], sem_o)

    def drain_out(out_b, sem_o):
        pltpu.make_async_copy(out_b, o_hbm.at[pl.ds(base, CHUNK)], sem_o).wait()

    fire(0, u0, i0, su0, si0)

    @pl.loop(0, NCHUNK - 1, step=2)
    def _(t):
        drain(u0, i0, su0, si0)
        fire(t + 1, u1, i1, su1, si1)

        @pl.when(t > 0)
        def _():
            drain_out(out0, so0)

        _dot_chunk(u0, i0, out0)
        fire_out(t, out0, so0)

        drain(u1, i1, su1, si1)
        fire(t + 2, u0, i0, su0, si0)

        @pl.when(t > 0)
        def _():
            drain_out(out1, so1)

        _dot_chunk(u1, i1, out1)
        fire_out(t + 1, out1, so1)

    drain(u0, i0, su0, si0)
    drain_out(out0, so0)
    _dot_chunk(u0, i0, out0)
    fire_out(NCHUNK - 1, out0, so0)

    drain_out(out0, so0)
    drain_out(out1, so1)


def _pack_bf16_pairs(x):
    b = x.astype(jnp.bfloat16).reshape(N, D2, 2)
    return lax.bitcast_convert_type(b, jnp.int32)


def kernel(ufeat, ifeat, edge_index):
    src = edge_index[0].astype(jnp.int32)
    dst = edge_index[1].astype(jnp.int32)
    upk = _pack_bf16_pairs(ufeat)
    ipk = _pack_bf16_pairs(ifeat)
    mesh = plsc.VectorSubcoreMesh(core_axis_name="core", subcore_axis_name="subcore")

    cp = pltpu.CompilerParams()
    if "needs_layout_passes" in pltpu.CompilerParams.__dataclass_fields__:
        cp = dataclasses.replace(cp, needs_layout_passes=False)
    if "use_tc_tiling_on_sc" in pltpu.CompilerParams.__dataclass_fields__:
        cp = dataclasses.replace(cp, use_tc_tiling_on_sc=False)

    run = functools.partial(
        pl.kernel,
        out_type=jax.ShapeDtypeStruct((E,), jnp.float32),
        mesh=mesh,
        compiler_params=cp,
        scratch_types=[
            pltpu.VMEM((SPAN,), jnp.int32),
            pltpu.VMEM((SPAN,), jnp.int32),
            pltpu.VMEM((CHUNK, D2), jnp.int32),
            pltpu.VMEM((CHUNK, D2), jnp.int32),
            pltpu.VMEM((CHUNK, D2), jnp.int32),
            pltpu.VMEM((CHUNK, D2), jnp.int32),
            pltpu.VMEM((CHUNK,), jnp.float32),
            pltpu.VMEM((CHUNK,), jnp.float32),
            pltpu.SemaphoreType.DMA,
            pltpu.SemaphoreType.DMA,
            pltpu.SemaphoreType.DMA,
            pltpu.SemaphoreType.DMA,
            pltpu.SemaphoreType.DMA,
            pltpu.SemaphoreType.DMA,
            pltpu.SemaphoreType.DMA,
        ],
    )(_sc_dot_kernel)

    out = run(upk, ipk, src, dst)
    return out.reshape(E, 1)

# --- scband reference (transcript-rebuilt; emitter-appended) ---
"""Pipeline reference for scband-decoder-1975684956873 (READ-ONLY COPY).

The authoritative reference and input builder live on the scoring server;
editing this copy changes nothing except your own understanding.
"""

import jax, jax.numpy as jnp
import numpy as np

N_NODES = 10000
N_EDGES = 320000
D_FEAT = 128


def setup_inputs(seed: int = 0) -> dict:
    key = jax.random.key(seed)
    k1, k2, k3, k4 = jax.random.split(key, 4)
    ufeat = jax.random.normal(k1, (N_NODES, D_FEAT), dtype=jnp.float32)
    ifeat = jax.random.normal(k2, (N_NODES, D_FEAT), dtype=jnp.float32)
    src = jax.random.randint(k3, (N_EDGES,), 0, N_NODES, dtype=jnp.int64)
    dst = jax.random.randint(k4, (N_EDGES,), 0, N_NODES, dtype=jnp.int64)
    edge_index = jnp.stack([src, dst], axis=0)
    return {"ufeat": ufeat, "ifeat": ifeat, "edge_index": edge_index}


def reference(ufeat, ifeat, edge_index):
    # Decoder.forward: dropout(rate=0.0) is identity in eval/zero-rate.
    # graph.apply_edges(fn.u_dot_v('h','h','sr')):
    #   per-edge dot product between gene (src/u) features and cell (dst/v) features.
    # In this heterograph, 'gene' nodes hold ufeat and 'cell' nodes hold ifeat;
    # edge (u -> v) computes <ufeat[u], ifeat[v]> and stores it as edata['sr'] of shape [E, 1].
    u = jnp.take(ufeat, edge_index[0], axis=0)   # gather src features [E, d]
    v = jnp.take(ifeat, edge_index[1], axis=0)   # gather dst features [E, d]
    sr = jnp.sum(u * v, axis=-1, keepdims=True)  # [E, 1]
    return sr

if __name__ == "__main__":
    import jax
    _d = setup_inputs()
    print(jax.jit(kernel)(*tuple(_d.values())))

</pallas_src>

<mosaic_0001>
#map = affine_map<(d0, d1) -> (0, 0)>
#map1 = affine_map<(d0, d1) -> (0)>
module attributes {stable_mosaic.version = 14 : i64} {
  func.func @_sc_dot_kernel(%arg0: i32, %arg1: i32, %arg2: memref<10000x64xi32, #tpu.memory_space<hbm>>, %arg3: memref<10000x64xi32, #tpu.memory_space<hbm>>, %arg4: memref<320000xi32, #tpu.memory_space<hbm>>, %arg5: memref<320000xi32, #tpu.memory_space<hbm>>, %arg6: memref<320000xf32, #tpu.memory_space<hbm>>, %arg7: memref<10000xi32, #tpu.memory_space<vmem>>, %arg8: memref<10000xi32, #tpu.memory_space<vmem>>, %arg9: memref<400x64xi32, #tpu.memory_space<vmem>>, %arg10: memref<400x64xi32, #tpu.memory_space<vmem>>, %arg11: memref<400x64xi32, #tpu.memory_space<vmem>>, %arg12: memref<400x64xi32, #tpu.memory_space<vmem>>, %arg13: memref<400xf32, #tpu.memory_space<vmem>>, %arg14: memref<400xf32, #tpu.memory_space<vmem>>, %arg15: memref<!tpu.dma_semaphore, #tpu.memory_space<semaphore_mem>>, %arg16: memref<!tpu.dma_semaphore, #tpu.memory_space<semaphore_mem>>, %arg17: memref<!tpu.dma_semaphore, #tpu.memory_space<semaphore_mem>>, %arg18: memref<!tpu.dma_semaphore, #tpu.memory_space<semaphore_mem>>, %arg19: memref<!tpu.dma_semaphore, #tpu.memory_space<semaphore_mem>>, %arg20: memref<!tpu.dma_semaphore, #tpu.memory_space<semaphore_mem>>, %arg21: memref<!tpu.dma_semaphore, #tpu.memory_space<semaphore_mem>>) attributes {dimension_semantics = [#tpu.dimension_semantics<core_parallel>, #tpu.dimension_semantics<subcore_parallel>], iteration_bounds = array<i64: 2, 16>, scalar_prefetch = 0 : i64, scratch_operands = 15 : i64, tpu.core_type = #tpu.core_type<sc_vector_subcore>, window_params = [{transform_indices = #map}, {transform_indices = #map}, {transform_indices = #map1}, {transform_indices = #map1}, {transform_indices = #map1}]} {
    %mul3A = arith.constant 16 : i32
    %mul3A_0 = arith.muli %arg0, %mul3A : i32
    %add3A = arith.addi %mul3A_0, %arg1 : i32
    %mul3A_1 = arith.constant 10000 : i32
    %mul3A_2 = arith.muli %add3A, %mul3A_1 : i32
    %dma_start3A = tpu.memref_slice %arg4[%mul3A_2] : memref<320000xi32, #tpu.memory_space<hbm>> -> memref<10000xi32, #tpu.memory_space<hbm>>
    %dma_start3A_3 = tpu.memref_slice %arg4[%mul3A_2] : memref<320000xi32, #tpu.memory_space<hbm>> -> memref<10000xi32, #tpu.memory_space<hbm>>
    tpu.enqueue_dma source(%dma_start3A_3 : memref<10000xi32, #tpu.memory_space<hbm>>) target(%arg7 : memref<10000xi32, #tpu.memory_space<vmem>>) target_semaphore(%arg15 : memref<!tpu.dma_semaphore, #tpu.memory_space<semaphore_mem>>)
    %dma_wait3A = tpu.memref_slice %arg4[%mul3A_2] : memref<320000xi32, #tpu.memory_space<hbm>> -> memref<10000xi32, #tpu.memory_space<hbm>>
    %dma_wait3A_4 = tpu.memref_slice %arg4[%mul3A_2] : memref<320000xi32, #tpu.memory_space<hbm>> -> memref<10000xi32, #tpu.memory_space<hbm>>
    tpu.wait_dma2 semaphore(%arg15 : memref<!tpu.dma_semaphore, #tpu.memory_space<semaphore_mem>>) src(%dma_wait3A_4 : memref<10000xi32, #tpu.memory_space<hbm>>) dst(%arg7 : memref<10000xi32, #tpu.memory_space<vmem>>)
    %dma_start3A_5 = tpu.memref_slice %arg5[%mul3A_2] : memref<320000xi32, #tpu.memory_space<hbm>> -> memref<10000xi32, #tpu.memory_space<hbm>>
    %dma_start3A_6 = tpu.memref_slice %arg5[%mul3A_2] : memref<320000xi32, #tpu.memory_space<hbm>> -> memref<10000xi32, #tpu.memory_space<hbm>>
    tpu.enqueue_dma source(%dma_start3A_6 : memref<10000xi32, #tpu.memory_space<hbm>>) target(%arg8 : memref<10000xi32, #tpu.memory_space<vmem>>) target_semaphore(%arg15 : memref<!tpu.dma_semaphore, #tpu.memory_space<semaphore_mem>>)
    %dma_wait3A_7 = tpu.memref_slice %arg5[%mul3A_2] : memref<320000xi32, #tpu.memory_space<hbm>> -> memref<10000xi32, #tpu.memory_space<hbm>>
    %dma_wait3A_8 = tpu.memref_slice %arg5[%mul3A_2] : memref<320000xi32, #tpu.memory_space<hbm>> -> memref<10000xi32, #tpu.memory_space<hbm>>
    tpu.wait_dma2 semaphore(%arg15 : memref<!tpu.dma_semaphore, #tpu.memory_space<semaphore_mem>>) src(%dma_wait3A_8 : memref<10000xi32, #tpu.memory_space<hbm>>) dst(%arg8 : memref<10000xi32, #tpu.memory_space<vmem>>)
    %dma_start3A_9 = arith.constant 0 : i32
    %dma_start3A_10 = arith.constant 0 : i32
    %dma_start3A_11 = tpu.memref_slice %arg9[%dma_start3A_9, %dma_start3A_10] : memref<400x64xi32, #tpu.memory_space<vmem>> -> memref<400x64xi32, #tpu.memory_space<vmem>>
    %dma_start3A_12 = arith.constant 0 : i32
    %dma_start3A_13 = tpu.memref_slice %arg7[%dma_start3A_12] : memref<10000xi32, #tpu.memory_space<vmem>> -> memref<400xi32, #tpu.memory_space<vmem>>
    %dma_start3A_14 = arith.constant 0 : i32
    %dma_start3A_15 = arith.constant 0 : i32
    %dma_start3A_16 = tpu.memref_slice %arg2[%dma_start3A_14, %dma_start3A_15] : memref<10000x64xi32, #tpu.memory_space<hbm>> -> memref<10000x64xi32, #tpu.memory_space<hbm>>
    tpu.enqueue_indirect_dma source(%dma_start3A_16 : memref<10000x64xi32, #tpu.memory_space<hbm>>) target(%dma_start3A_11 : memref<400x64xi32, #tpu.memory_space<vmem>>) offsets(%dma_start3A_13 : memref<400xi32, #tpu.memory_space<vmem>>) semaphore(%arg16 : memref<!tpu.dma_semaphore, #tpu.memory_space<semaphore_mem>>)
    %dma_start3A_17 = arith.constant 0 : i32
    %dma_start3A_18 = arith.constant 0 : i32
    %dma_start3A_19 = tpu.memref_slice %arg10[%dma_start3A_17, %dma_start3A_18] : memref<400x64xi32, #tpu.memory_space<vmem>> -> memref<400x64xi32, #tpu.memory_space<vmem>>
    %dma_start3A_20 = arith.constant 0 : i32
    %dma_start3A_21 = tpu.memref_slice %arg8[%dma_start3A_20] : memref<10000xi32, #tpu.memory_space<vmem>> -> memref<400xi32, #tpu.memory_space<vmem>>
    %dma_start3A_22 = arith.constant 0 : i32
    %dma_start3A_23 = arith.constant 0 : i32
    %dma_start3A_24 = tpu.memref_slice %arg3[%dma_start3A_22, %dma_start3A_23] : memref<10000x64xi32, #tpu.memory_space<hbm>> -> memref<10000x64xi32, #tpu.memory_space<hbm>>
    tpu.enqueue_indirect_dma source(%dma_start3A_24 : memref<10000x64xi32, #tpu.memory_space<hbm>>) target(%dma_start3A_19 : memref<400x64xi32, #tpu.memory_space<vmem>>) offsets(%dma_start3A_21 : memref<400xi32, #tpu.memory_space<vmem>>) semaphore(%arg17 : memref<!tpu.dma_semaphore, #tpu.memory_space<semaphore_mem>>)
    %scan3A = arith.constant 0 : i32
    %scan3A_25 = arith.constant 12 : i32
    %scan3A_26 = arith.addi %scan3A, %scan3A_25 : i32
    %scan3A_27 = arith.constant 1 : i32
    scf.for %scan3A_54 = %scan3A to %scan3A_26 step %scan3A_27  : i32 {
      %mul3A_55 = arith.constant 2 : i32
      %mul3A_56 = arith.muli %scan3A_54, %mul3A_55 : i32
      %add3A_57 = arith.constant 0 : i32
      %add3A_58 = arith.addi %add3A_57, %mul3A_56 : i32
      %dma_wait3A_59 = arith.constant 0 : i32
      %dma_wait3A_60 = tpu.memref_slice %arg7[%dma_wait3A_59] : memref<10000xi32, #tpu.memory_space<vmem>> -> memref<400xi32, #tpu.memory_space<vmem>>
      %dma_wait3A_61 = arith.constant 0 : i32
      %dma_wait3A_62 = arith.constant 0 : i32
      %dma_wait3A_63 = tpu.memref_slice %arg2[%dma_wait3A_61, %dma_wait3A_62] : memref<10000x64xi32, #tpu.memory_space<hbm>> -> memref<10000x64xi32, #tpu.memory_space<hbm>>
      tpu.wait_indirect_dma semaphore(%arg16 : memref<!tpu.dma_semaphore, #tpu.memory_space<semaphore_mem>>) src(%dma_wait3A_63 : memref<10000x64xi32, #tpu.memory_space<hbm>>) dst(%arg9 : memref<400x64xi32, #tpu.memory_space<vmem>>)
      %dma_wait3A_64 = arith.constant 0 : i32
      %dma_wait3A_65 = tpu.memref_slice %arg8[%dma_wait3A_64] : memref<10000xi32, #tpu.memory_space<vmem>> -> memref<400xi32, #tpu.memory_space<vmem>>
      %dma_wait3A_66 = arith.constant 0 : i32
      %dma_wait3A_67 = arith.constant 0 : i32
      %dma_wait3A_68 = tpu.memref_slice %arg3[%dma_wait3A_66, %dma_wait3A_67] : memref<10000x64xi32, #tpu.memory_space<hbm>> -> memref<10000x64xi32, #tpu.memory_space<hbm>>
      tpu.wait_indirect_dma semaphore(%arg17 : memref<!tpu.dma_semaphore, #tpu.memory_space<semaphore_mem>>) src(%dma_wait3A_68 : memref<10000x64xi32, #tpu.memory_space<hbm>>) dst(%arg10 : memref<400x64xi32, #tpu.memory_space<vmem>>)
      %add3A_69 = arith.constant 1 : i32
      %add3A_70 = arith.addi %add3A_58, %add3A_69 : i32
      %mul3A_71 = arith.constant 400 : i32
      %mul3A_72 = arith.muli %add3A_70, %mul3A_71 : i32
      %add3A_73 = arith.constant 0 : i32
      %add3A_74 = arith.addi %mul3A_72, %add3A_73 : i32
      %dma_start3A_75 = arith.constant 0 : i32
      %dma_start3A_76 = arith.constant 0 : i32
      %dma_start3A_77 = tpu.memref_slice %arg11[%dma_start3A_75, %dma_start3A_76] : memref<400x64xi32, #tpu.memory_space<vmem>> -> memref<400x64xi32, #tpu.memory_space<vmem>>
      %dma_start3A_78 = tpu.memref_slice %arg7[%add3A_74] : memref<10000xi32, #tpu.memory_space<vmem>> -> memref<400xi32, #tpu.memory_space<vmem>>
      %dma_start3A_79 = arith.constant 0 : i32
      %dma_start3A_80 = arith.constant 0 : i32
      %dma_start3A_81 = tpu.memref_slice %arg2[%dma_start3A_79, %dma_start3A_80] : memref<10000x64xi32, #tpu.memory_space<hbm>> -> memref<10000x64xi32, #tpu.memory_space<hbm>>
      tpu.enqueue_indirect_dma source(%dma_start3A_81 : memref<10000x64xi32, #tpu.memory_space<hbm>>) target(%dma_start3A_77 : memref<400x64xi32, #tpu.memory_space<vmem>>) offsets(%dma_start3A_78 : memref<400xi32, #tpu.memory_space<vmem>>) semaphore(%arg18 : memref<!tpu.dma_semaphore, #tpu.memory_space<semaphore_mem>>)
      %mul3A_82 = arith.constant 400 : i32
      %mul3A_83 = arith.muli %add3A_70, %mul3A_82 : i32
      %add3A_84 = arith.constant 0 : i32
      %add3A_85 = arith.addi %mul3A_83, %add3A_84 : i32
      %dma_start3A_86 = arith.constant 0 : i32
      %dma_start3A_87 = arith.constant 0 : i32
      %dma_start3A_88 = tpu.memref_slice %arg12[%dma_start3A_86, %dma_start3A_87] : memref<400x64xi32, #tpu.memory_space<vmem>> -> memref<400x64xi32, #tpu.memory_space<vmem>>
      %dma_start3A_89 = tpu.memref_slice %arg8[%add3A_85] : memref<10000xi32, #tpu.memory_space<vmem>> -> memref<400xi32, #tpu.memory_space<vmem>>
      %dma_start3A_90 = arith.constant 0 : i32
      %dma_start3A_91 = arith.constant 0 : i32
      %dma_start3A_92 = tpu.memref_slice %arg3[%dma_start3A_90, %dma_start3A_91] : memref<10000x64xi32, #tpu.memory_space<hbm>> -> memref<10000x64xi32, #tpu.memory_space<hbm>>
      tpu.enqueue_indirect_dma source(%dma_start3A_92 : memref<10000x64xi32, #tpu.memory_space<hbm>>) target(%dma_start3A_88 : memref<400x64xi32, #tpu.memory_space<vmem>>) offsets(%dma_start3A_89 : memref<400xi32, #tpu.memory_space<vmem>>) semaphore(%arg19 : memref<!tpu.dma_semaphore, #tpu.memory_space<semaphore_mem>>)
      %gt3A = arith.constant 0 : i32
      %gt3A_93 = arith.cmpi sgt, %add3A_58, %gt3A : i32
      %convert_element_type3A = arith.extui %gt3A_93 : i1 to i32
      %cond3A = arith.constant 0 : i32
      %cond3A_94 = arith.cmpi ne, %convert_element_type3A, %cond3A : i32
      scf.if %cond3A_94 {
        %dma_wait3A_156 = tpu.memref_slice %arg6[%mul3A_2] : memref<320000xf32, #tpu.memory_space<hbm>> -> memref<400xf32, #tpu.memory_space<hbm>>
        %dma_wait3A_157 = tpu.memref_slice %arg6[%mul3A_2] : memref<320000xf32, #tpu.memory_space<hbm>> -> memref<400xf32, #tpu.memory_space<hbm>>
        tpu.wait_dma2 semaphore(%arg20 : memref<!tpu.dma_semaphore, #tpu.memory_space<semaphore_mem>>) src(%arg13 : memref<400xf32, #tpu.memory_space<vmem>>) dst(%dma_wait3A_157 : memref<400xf32, #tpu.memory_space<hbm>>)
      } else {
      }
      %scan3A_95 = arith.constant 0 : i32
      %scan3A_96 = arith.constant 25 : i32
      %scan3A_97 = arith.addi %scan3A_95, %scan3A_96 : i32
      %scan3A_98 = arith.constant 1 : i32
      scf.for %scan3A_156 = %scan3A_95 to %scan3A_97 step %scan3A_98  : i32 {
        %mul3A_157 = arith.constant 16 : i32
        %mul3A_158 = arith.muli %scan3A_156, %mul3A_157 : i32
        %add3A_159 = arith.constant 0 : i32
        %add3A_160 = arith.addi %add3A_159, %mul3A_158 : i32
        %iota3A = tpu.iota {dimensions = array<i32: 0>} : vector<16xi32>
        %add3A_161 = vector.broadcast %add3A_160 : i32 to vector<16xi32>
        %add3A_162 = arith.addi %add3A_161, %iota3A : vector<16xi32>
        %broadcast_in_dim3A = arith.constant 0.000000e+00 : f32
        %broadcast_in_dim3A_163 = vector.broadcast %broadcast_in_dim3A : f32 to vector<16xf32>
        %scan3A_164 = arith.constant 0 : i32
        %scan3A_165 = arith.constant 4 : i32
        %scan3A_166 = arith.addi %scan3A_164, %scan3A_165 : i32
        %scan3A_167 = arith.constant 1 : i32
        %scan3A_168:4 = scf.for %scan3A_174 = %scan3A_164 to %scan3A_166 step %scan3A_167 iter_args(%scan3A_175 = %broadcast_in_dim3A_163, %scan3A_176 = %broadcast_in_dim3A_163, %scan3A_177 = %broadcast_in_dim3A_163, %scan3A_178 = %broadcast_in_dim3A_163) -> (vector<16xf32>, vector<16xf32>, vector<16xf32>, vector<16xf32>)  : i32 {
          %mul3A_179 = arith.constant 16 : i32
          %mul3A_180 = arith.muli %scan3A_174, %mul3A_179 : i32
          %add3A_181 = arith.constant 0 : i32
          %add3A_182 = arith.addi %mul3A_180, %add3A_181 : i32
          %add3A_183 = vector.broadcast %add3A_182 : i32 to vector<16xi32>
          %add3A_184 = arith.addi %iota3A, %add3A_183 : vector<16xi32>
          %and3A = arith.constant 63 : i32
          %and3A_185 = vector.broadcast %and3A : i32 to vector<16xi32>
          %and3A_186 = arith.andi %add3A_184, %and3A_185 : vector<16xi32>
          %gather3A = tpu.vector_load_idx %arg9[%add3A_162, %and3A_186] : memref<400x64xi32, #tpu.memory_space<vmem>>[vector<16xi32>, vector<16xi32>], vector<16xi32>,
          %gather3A_187 = tpu.vector_load_idx %arg10[%add3A_162, %and3A_186] : memref<400x64xi32, #tpu.memory_space<vmem>>[vector<16xi32>, vector<16xi32>], vector<16xi32>,
          %shift_left3A = arith.constant 16 : i32
          %shift_left3A_188 = vector.broadcast %shift_left3A : i32 to vector<16xi32>
          %shift_left3A_189 = arith.shli %gather3A, %shift_left3A_188 : vector<16xi32>
          %bitcast3A = vector.bitcast %shift_left3A_189 : vector<16xi32> to vector<16xf32>
          %shift_left3A_190 = arith.constant 16 : i32
          %shift_left3A_191 = vector.broadcast %shift_left3A_190 : i32 to vector<16xi32>
          %shift_left3A_192 = arith.shli %gather3A_187, %shift_left3A_191 : vector<16xi32>
          %bitcast3A_193 = vector.bitcast %shift_left3A_192 : vector<16xi32> to vector<16xf32>
          %bitcast3A_194 = vector.bitcast %gather3A : vector<16xi32> to vector<16xf32>
          %bitcast3A_195 = vector.bitcast %gather3A_187 : vector<16xi32> to vector<16xf32>
          %mul3A_196 = arith.mulf %bitcast3A, %bitcast3A_193 : vector<16xf32>
          %add3A_197 = arith.addf %scan3A_175, %mul3A_196 : vector<16xf32>
          %mul3A_198 = arith.mulf %bitcast3A_194, %bitcast3A_195 : vector<16xf32>
          %add3A_199 = arith.addf %scan3A_176, %mul3A_198 : vector<16xf32>
          %add3A_200 = arith.constant 1 : i32
          %add3A_201 = arith.addi %mul3A_180, %add3A_200 : i32
          %add3A_202 = vector.broadcast %add3A_201 : i32 to vector<16xi32>
          %add3A_203 = arith.addi %iota3A, %add3A_202 : vector<16xi32>
          %and3A_204 = arith.constant 63 : i32
          %and3A_205 = vector.broadcast %and3A_204 : i32 to vector<16xi32>
          %and3A_206 = arith.andi %add3A_203, %and3A_205 : vector<16xi32>
          %gather3A_207 = tpu.vector_load_idx %arg9[%add3A_162, %and3A_206] : memref<400x64xi32, #tpu.memory_space<vmem>>[vector<16xi32>, vector<16xi32>], vector<16xi32>,
          %gather3A_208 = tpu.vector_load_idx %arg10[%add3A_162, %and3A_206] : memref<400x64xi32, #tpu.memory_space<vmem>>[vector<16xi32>, vector<16xi32>], vector<16xi32>,
          %shift_left3A_209 = arith.constant 16 : i32
          %shift_left3A_210 = vector.broadcast %shift_left3A_209 : i32 to vector<16xi32>
          %shift_left3A_211 = arith.shli %gather3A_207, %shift_left3A_210 : vector<16xi32>
          %bitcast3A_212 = vector.bitcast %shift_left3A_211 : vector<16xi32> to vector<16xf32>
          %shift_left3A_213 = arith.constant 16 : i32
          %shift_left3A_214 = vector.broadcast %shift_left3A_213 : i32 to vector<16xi32>
          %shift_left3A_215 = arith.shli %gather3A_208, %shift_left3A_214 : vector<16xi32>
          %bitcast3A_216 = vector.bitcast %shift_left3A_215 : vector<16xi32> to vector<16xf32>
          %bitcast3A_217 = vector.bitcast %gather3A_207 : vector<16xi32> to vector<16xf32>
          %bitcast3A_218 = vector.bitcast %gather3A_208 : vector<16xi32> to vector<16xf32>
          %mul3A_219 = arith.mulf %bitcast3A_212, %bitcast3A_216 : vector<16xf32>
          %add3A_220 = arith.addf %scan3A_177, %mul3A_219 : vector<16xf32>
          %mul3A_221 = arith.mulf %bitcast3A_217, %bitcast3A_218 : vector<16xf32>
          %add3A_222 = arith.addf %scan3A_178, %mul3A_221 : vector<16xf32>
          %add3A_223 = arith.constant 2 : i32
          %add3A_224 = arith.addi %mul3A_180, %add3A_223 : i32
          %add3A_225 = vector.broadcast %add3A_224 : i32 to vector<16xi32>
          %add3A_226 = arith.addi %iota3A, %add3A_225 : vector<16xi32>
          %and3A_227 = arith.constant 63 : i32
          %and3A_228 = vector.broadcast %and3A_227 : i32 to vector<16xi32>
          %and3A_229 = arith.andi %add3A_226, %and3A_228 : vector<16xi32>
          %gather3A_230 = tpu.vector_load_idx %arg9[%add3A_162, %and3A_229] : memref<400x64xi32, #tpu.memory_space<vmem>>[vector<16xi32>, vector<16xi32>], vector<16xi32>,
          %gather3A_231 = tpu.vector_load_idx %arg10[%add3A_162, %and3A_229] : memref<400x64xi32, #tpu.memory_space<vmem>>[vector<16xi32>, vector<16xi32>], vector<16xi32>,
          %shift_left3A_232 = arith.constant 16 : i32
          %shift_left3A_233 = vector.broadcast %shift_left3A_232 : i32 to vector<16xi32>
          %shift_left3A_234 = arith.shli %gather3A_230, %shift_left3A_233 : vector<16xi32>
          %bitcast3A_235 = vector.bitcast %shift_left3A_234 : vector<16xi32> to vector<16xf32>
          %shift_left3A_236 = arith.constant 16 : i32
          %shift_left3A_237 = vector.broadcast %shift_left3A_236 : i32 to vector<16xi32>
          %shift_left3A_238 = arith.shli %gather3A_231, %shift_left3A_237 : vector<16xi32>
          %bitcast3A_239 = vector.bitcast %shift_left3A_238 : vector<16xi32> to vector<16xf32>
          %bitcast3A_240 = vector.bitcast %gather3A_230 : vector<16xi32> to vector<16xf32>
          %bitcast3A_241 = vector.bitcast %gather3A_231 : vector<16xi32> to vector<16xf32>
          %mul3A_242 = arith.mulf %bitcast3A_235, %bitcast3A_239 : vector<16xf32>
          %add3A_243 = arith.addf %add3A_197, %mul3A_242 : vector<16xf32>
          %mul3A_244 = arith.mulf %bitcast3A_240, %bitcast3A_241 : vector<16xf32>
          %add3A_245 = arith.addf %add3A_199, %mul3A_244 : vector<16xf32>
          %add3A_246 = arith.constant 3 : i32
          %add3A_247 = arith.addi %mul3A_180, %add3A_246 : i32
          %add3A_248 = vector.broadcast %add3A_247 : i32 to vector<16xi32>
          %add3A_249 = arith.addi %iota3A, %add3A_248 : vector<16xi32>
          %and3A_250 = arith.constant 63 : i32
          %and3A_251 = vector.broadcast %and3A_250 : i32 to vector<16xi32>
          %and3A_252 = arith.andi %add3A_249, %and3A_251 : vector<16xi32>
          %gather3A_253 = tpu.vector_load_idx %arg9[%add3A_162, %and3A_252] : memref<400x64xi32, #tpu.memory_space<vmem>>[vector<16xi32>, vector<16xi32>], vector<16xi32>,
          %gather3A_254 = tpu.vector_load_idx %arg10[%add3A_162, %and3A_252] : memref<400x64xi32, #tpu.memory_space<vmem>>[vector<16xi32>, vector<16xi32>], vector<16xi32>,
          %shift_left3A_255 = arith.constant 16 : i32
          %shift_left3A_256 = vector.broadcast %shift_left3A_255 : i32 to vector<16xi32>
          %shift_left3A_257 = arith.shli %gather3A_253, %shift_left3A_256 : vector<16xi32>
          %bitcast3A_258 = vector.bitcast %shift_left3A_257 : vector<16xi32> to vector<16xf32>
          %shift_left3A_259 = arith.constant 16 : i32
          %shift_left3A_260 = vector.broadcast %shift_left3A_259 : i32 to vector<16xi32>
          %shift_left3A_261 = arith.shli %gather3A_254, %shift_left3A_260 : vector<16xi32>
          %bitcast3A_262 = vector.bitcast %shift_left3A_261 : vector<16xi32> to vector<16xf32>
          %bitcast3A_263 = vector.bitcast %gather3A_253 : vector<16xi32> to vector<16xf32>
          %bitcast3A_264 = vector.bitcast %gather3A_254 : vector<16xi32> to vector<16xf32>
          %mul3A_265 = arith.mulf %bitcast3A_258, %bitcast3A_262 : vector<16xf32>
          %add3A_266 = arith.addf %add3A_220, %mul3A_265 : vector<16xf32>
          %mul3A_267 = arith.mulf %bitcast3A_263, %bitcast3A_264 : vector<16xf32>
          %add3A_268 = arith.addf %add3A_222, %mul3A_267 : vector<16xf32>
          %add3A_269 = arith.constant 4 : i32
          %add3A_270 = arith.addi %mul3A_180, %add3A_269 : i32
          %add3A_271 = vector.broadcast %add3A_270 : i32 to vector<16xi32>
          %add3A_272 = arith.addi %iota3A, %add3A_271 : vector<16xi32>
          %and3A_273 = arith.constant 63 : i32
          %and3A_274 = vector.broadcast %and3A_273 : i32 to vector<16xi32>
          %and3A_275 = arith.andi %add3A_272, %and3A_274 : vector<16xi32>
          %gather3A_276 = tpu.vector_load_idx %arg9[%add3A_162, %and3A_275] : memref<400x64xi32, #tpu.memory_space<vmem>>[vector<16xi32>, vector<16xi32>], vector<16xi32>,
          %gather3A_277 = tpu.vector_load_idx %arg10[%add3A_162, %and3A_275] : memref<400x64xi32, #tpu.memory_space<vmem>>[vector<16xi32>, vector<16xi32>], vector<16xi32>,
          %shift_left3A_278 = arith.constant 16 : i32
          %shift_left3A_279 = vector.broadcast %shift_left3A_278 : i32 to vector<16xi32>
          %shift_left3A_280 = arith.shli %gather3A_276, %shift_left3A_279 : vector<16xi32>
          %bitcast3A_281 = vector.bitcast %shift_left3A_280 : vector<16xi32> to vector<16xf32>
          %shift_left3A_282 = arith.constant 16 : i32
          %shift_left3A_283 = vector.broadcast %shift_left3A_282 : i32 to vector<16xi32>
          %shift_left3A_284 = arith.shli %gather3A_277, %shift_left3A_283 : vector<16xi32>
          %bitcast3A_285 = vector.bitcast %shift_left3A_284 : vector<16xi32> to vector<16xf32>
          %bitcast3A_286 = vector.bitcast %gather3A_276 : vector<16xi32> to vector<16xf32>
          %bitcast3A_287 = vector.bitcast %gather3A_277 : vector<16xi32> to vector<16xf32>
          %mul3A_288 = arith.mulf %bitcast3A_281, %bitcast3A_285 : vector<16xf32>
          %add3A_289 = arith.addf %add3A_243, %mul3A_288 : vector<16xf32>
          %mul3A_290 = arith.mulf %bitcast3A_286, %bitcast3A_287 : vector<16xf32>
          %add3A_291 = arith.addf %add3A_245, %mul3A_290 : vector<16xf32>
          %add3A_292 = arith.constant 5 : i32
          %add3A_293 = arith.addi %mul3A_180, %add3A_292 : i32
          %add3A_294 = vector.broadcast %add3A_293 : i32 to vector<16xi32>
          %add3A_295 = arith.addi %iota3A, %add3A_294 : vector<16xi32>
          %and3A_296 = arith.constant 63 : i32
          %and3A_297 = vector.broadcast %and3A_296 : i32 to vector<16xi32>
          %and3A_298 = arith.andi %add3A_295, %and3A_297 : vector<16xi32>
          %gather3A_299 = tpu.vector_load_idx %arg9[%add3A_162, %and3A_298] : memref<400x64xi32, #tpu.memory_space<vmem>>[vector<16xi32>, vector<16xi32>], vector<16xi32>,
          %gather3A_300 = tpu.vector_load_idx %arg10[%add3A_162, %and3A_298] : memref<400x64xi32, #tpu.memory_space<vmem>>[vector<16xi32>, vector<16xi32>], vector<16xi32>,
          %shift_left3A_301 = arith.constant 16 : i32
          %shift_left3A_302 = vector.broadcast %shift_left3A_301 : i32 to vector<16xi32>
          %shift_left3A_303 = arith.shli %gather3A_299, %shift_left3A_302 : vector<16xi32>
          %bitcast3A_304 = vector.bitcast %shift_left3A_303 : vector<16xi32> to vector<16xf32>
          %shift_left3A_305 = arith.constant 16 : i32
          %shift_left3A_306 = vector.broadcast %shift_left3A_305 : i32 to vector<16xi32>
          %shift_left3A_307 = arith.shli %gather3A_300, %shift_left3A_306 : vector<16xi32>
          %bitcast3A_308 = vector.bitcast %shift_left3A_307 : vector<16xi32> to vector<16xf32>
          %bitcast3A_309 = vector.bitcast %gather3A_299 : vector<16xi32> to vector<16xf32>
          %bitcast3A_310 = vector.bitcast %gather3A_300 : vector<16xi32> to vector<16xf32>
          %mul3A_311 = arith.mulf %bitcast3A_304, %bitcast3A_308 : vector<16xf32>
          %add3A_312 = arith.addf %add3A_266, %mul3A_311 : vector<16xf32>
          %mul3A_313 = arith.mulf %bitcast3A_309, %bitcast3A_310 : vector<16xf32>
          %add3A_314 = arith.addf %add3A_268, %mul3A_313 : vector<16xf32>
          %add3A_315 = arith.constant 6 : i32
          %add3A_316 = arith.addi %mul3A_180, %add3A_315 : i32
          %add3A_317 = vector.broadcast %add3A_316 : i32 to vector<16xi32>
          %add3A_318 = arith.addi %iota3A, %add3A_317 : vector<16xi32>
          %and3A_319 = arith.constant 63 : i32
          %and3A_320 = vector.broadcast %and3A_319 : i32 to vector<16xi32>
          %and3A_321 = arith.andi %add3A_318, %and3A_320 : vector<16xi32>
          %gather3A_322 = tpu.vector_load_idx %arg9[%add3A_162, %and3A_321] : memref<400x64xi32, #tpu.memory_space<vmem>>[vector<16xi32>, vector<16xi32>], vector<16xi32>,
          %gather3A_323 = tpu.vector_load_idx %arg10[%add3A_162, %and3A_321] : memref<400x64xi32, #tpu.memory_space<vmem>>[vector<16xi32>, vector<16xi32>], vector<16xi32>,
          %shift_left3A_324 = arith.constant 16 : i32
          %shift_left3A_325 = vector.broadcast %shift_left3A_324 : i32 to vector<16xi32>
          %shift_left3A_326 = arith.shli %gather3A_322, %shift_left3A_325 : vector<16xi32>
          %bitcast3A_327 = vector.bitcast %shift_left3A_326 : vector<16xi32> to vector<16xf32>
          %shift_left3A_328 = arith.constant 16 : i32
          %shift_left3A_329 = vector.broadcast %shift_left3A_328 : i32 to vector<16xi32>
          %shift_left3A_330 = arith.shli %gather3A_323, %shift_left3A_329 : vector<16xi32>
          %bitcast3A_331 = vector.bitcast %shift_left3A_330 : vector<16xi32> to vector<16xf32>
          %bitcast3A_332 = vector.bitcast %gather3A_322 : vector<16xi32> to vector<16xf32>
          %bitcast3A_333 = vector.bitcast %gather3A_323 : vector<16xi32> to vector<16xf32>
          %mul3A_334 = arith.mulf %bitcast3A_327, %bitcast3A_331 : vector<16xf32>
          %add3A_335 = arith.addf %add3A_289, %mul3A_334 : vector<16xf32>
          %mul3A_336 = arith.mulf %bitcast3A_332, %bitcast3A_333 : vector<16xf32>
          %add3A_337 = arith.addf %add3A_291, %mul3A_336 : vector<16xf32>
          %add3A_338 = arith.constant 7 : i32
          %add3A_339 = arith.addi %mul3A_180, %add3A_338 : i32
          %add3A_340 = vector.broadcast %add3A_339 : i32 to vector<16xi32>
          %add3A_341 = arith.addi %iota3A, %add3A_340 : vector<16xi32>
          %and3A_342 = arith.constant 63 : i32
          %and3A_343 = vector.broadcast %and3A_342 : i32 to vector<16xi32>
          %and3A_344 = arith.andi %add3A_341, %and3A_343 : vector<16xi32>
          %gather3A_345 = tpu.vector_load_idx %arg9[%add3A_162, %and3A_344] : memref<400x64xi32, #tpu.memory_space<vmem>>[vector<16xi32>, vector<16xi32>], vector<16xi32>,
          %gather3A_346 = tpu.vector_load_idx %arg10[%add3A_162, %and3A_344] : memref<400x64xi32, #tpu.memory_space<vmem>>[vector<16xi32>, vector<16xi32>], vector<16xi32>,
          %shift_left3A_347 = arith.constant 16 : i32
          %shift_left3A_348 = vector.broadcast %shift_left3A_347 : i32 to vector<16xi32>
          %shift_left3A_349 = arith.shli %gather3A_345, %shift_left3A_348 : vector<16xi32>
          %bitcast3A_350 = vector.bitcast %shift_left3A_349 : vector<16xi32> to vector<16xf32>
          %shift_left3A_351 = arith.constant 16 : i32
          %shift_left3A_352 = vector.broadcast %shift_left3A_351 : i32 to vector<16xi32>
          %shift_left3A_353 = arith.shli %gather3A_346, %shift_left3A_352 : vector<16xi32>
          %bitcast3A_354 = vector.bitcast %shift_left3A_353 : vector<16xi32> to vector<16xf32>
          %bitcast3A_355 = vector.bitcast %gather3A_345 : vector<16xi32> to vector<16xf32>
          %bitcast3A_356 = vector.bitcast %gather3A_346 : vector<16xi32> to vector<16xf32>
          %mul3A_357 = arith.mulf %bitcast3A_350, %bitcast3A_354 : vector<16xf32>
          %add3A_358 = arith.addf %add3A_312, %mul3A_357 : vector<16xf32>
          %mul3A_359 = arith.mulf %bitcast3A_355, %bitcast3A_356 : vector<16xf32>
          %add3A_360 = arith.addf %add3A_314, %mul3A_359 : vector<16xf32>
          %add3A_361 = arith.constant 8 : i32
          %add3A_362 = arith.addi %mul3A_180, %add3A_361 : i32
          %add3A_363 = vector.broadcast %add3A_362 : i32 to vector<16xi32>
          %add3A_364 = arith.addi %iota3A, %add3A_363 : vector<16xi32>
          %and3A_365 = arith.constant 63 : i32
          %and3A_366 = vector.broadcast %and3A_365 : i32 to vector<16xi32>
          %and3A_367 = arith.andi %add3A_364, %and3A_366 : vector<16xi32>
          %gather3A_368 = tpu.vector_load_idx %arg9[%add3A_162, %and3A_367] : memref<400x64xi32, #tpu.memory_space<vmem>>[vector<16xi32>, vector<16xi32>], vector<16xi32>,
          %gather3A_369 = tpu.vector_load_idx %arg10[%add3A_162, %and3A_367] : memref<400x64xi32, #tpu.memory_space<vmem>>[vector<16xi32>, vector<16xi32>], vector<16xi32>,
          %shift_left3A_370 = arith.constant 16 : i32
          %shift_left3A_371 = vector.broadcast %shift_left3A_370 : i32 to vector<16xi32>
          %shift_left3A_372 = arith.shli %gather3A_368, %shift_left3A_371 : vector<16xi32>
          %bitcast3A_373 = vector.bitcast %shift_left3A_372 : vector<16xi32> to vector<16xf32>
          %shift_left3A_374 = arith.constant 16 : i32
          %shift_left3A_375 = vector.broadcast %shift_left3A_374 : i32 to vector<16xi32>
          %shift_left3A_376 = arith.shli %gather3A_369, %shift_left3A_375 : vector<16xi32>
          %bitcast3A_377 = vector.bitcast %shift_left3A_376 : vector<16xi32> to vector<16xf32>
          %bitcast3A_378 = vector.bitcast %gather3A_368 : vector<16xi32> to vector<16xf32>
          %bitcast3A_379 = vector.bitcast %gather3A_369 : vector<16xi32> to vector<16xf32>
          %mul3A_380 = arith.mulf %bitcast3A_373, %bitcast3A_377 : vector<16xf32>
          %add3A_381 = arith.addf %add3A_335, %mul3A_380 : vector<16xf32>
          %mul3A_382 = arith.mulf %bitcast3A_378, %bitcast3A_379 : vector<16xf32>
          %add3A_383 = arith.addf %add3A_337, %mul3A_382 : vector<16xf32>
          %add3A_384 = arith.constant 9 : i32
          %add3A_385 = arith.addi %mul3A_180, %add3A_384 : i32
          %add3A_386 = vector.broadcast %add3A_385 : i32 to vector<16xi32>
          %add3A_387 = arith.addi %iota3A, %add3A_386 : vector<16xi32>
          %and3A_388 = arith.constant 63 : i32
          %and3A_389 = vector.broadcast %and3A_388 : i32 to vector<16xi32>
          %and3A_390 = arith.andi %add3A_387, %and3A_389 : vector<16xi32>
          %gather3A_391 = tpu.vector_load_idx %arg9[%add3A_162, %and3A_390] : memref<400x64xi32, #tpu.memory_space<vmem>>[vector<16xi32>, vector<16xi32>], vector<16xi32>,
          %gather3A_392 = tpu.vector_load_idx %arg10[%add3A_162, %and3A_390] : memref<400x64xi32, #tpu.memory_space<vmem>>[vector<16xi32>, vector<16xi32>], vector<16xi32>,
          %shift_left3A_393 = arith.constant 16 : i32
          %shift_left3A_394 = vector.broadcast %shift_left3A_393 : i32 to vector<16xi32>
          %shift_left3A_395 = arith.shli %gather3A_391, %shift_left3A_394 : vector<16xi32>
          %bitcast3A_396 = vector.bitcast %shift_left3A_395 : vector<16xi32> to vector<16xf32>
          %shift_left3A_397 = arith.constant 16 : i32
          %shift_left3A_398 = vector.broadcast %shift_left3A_397 : i32 to vector<16xi32>
          %shift_left3A_399 = arith.shli %gather3A_392, %shift_left3A_398 : vector<16xi32>
          %bitcast3A_400 = vector.bitcast %shift_left3A_399 : vector<16xi32> to vector<16xf32>
          %bitcast3A_401 = vector.bitcast %gather3A_391 : vector<16xi32> to vector<16xf32>
          %bitcast3A_402 = vector.bitcast %gather3A_392 : vector<16xi32> to vector<16xf32>
          %mul3A_403 = arith.mulf %bitcast3A_396, %bitcast3A_400 : vector<16xf32>
          %add3A_404 = arith.addf %add3A_358, %mul3A_403 : vector<16xf32>
          %mul3A_405 = arith.mulf %bitcast3A_401, %bitcast3A_402 : vector<16xf32>
          %add3A_406 = arith.addf %add3A_360, %mul3A_405 : vector<16xf32>
          %add3A_407 = arith.constant 10 : i32
          %add3A_408 = arith.addi %mul3A_180, %add3A_407 : i32
          %add3A_409 = vector.broadcast %add3A_408 : i32 to vector<16xi32>
          %add3A_410 = arith.addi %iota3A, %add3A_409 : vector<16xi32>
          %and3A_411 = arith.constant 63 : i32
          %and3A_412 = vector.broadcast %and3A_411 : i32 to vector<16xi32>
          %and3A_413 = arith.andi %add3A_410, %and3A_412 : vector<16xi32>
          %gather3A_414 = tpu.vector_load_idx %arg9[%add3A_162, %and3A_413] : memref<400x64xi32, #tpu.memory_space<vmem>>[vector<16xi32>, vector<16xi32>], vector<16xi32>,
          %gather3A_415 = tpu.vector_load_idx %arg10[%add3A_162, %and3A_413] : memref<400x64xi32, #tpu.memory_space<vmem>>[vector<16xi32>, vector<16xi32>], vector<16xi32>,
          %shift_left3A_416 = arith.constant 16 : i32
          %shift_left3A_417 = vector.broadcast %shift_left3A_416 : i32 to vector<16xi32>
          %shift_left3A_418 = arith.shli %gather3A_414, %shift_left3A_417 : vector<16xi32>
          %bitcast3A_419 = vector.bitcast %shift_left3A_418 : vector<16xi32> to vector<16xf32>
          %shift_left3A_420 = arith.constant 16 : i32
          %shift_left3A_421 = vector.broadcast %shift_left3A_420 : i32 to vector<16xi32>
          %shift_left3A_422 = arith.shli %gather3A_415, %shift_left3A_421 : vector<16xi32>
          %bitcast3A_423 = vector.bitcast %shift_left3A_422 : vector<16xi32> to vector<16xf32>
          %bitcast3A_424 = vector.bitcast %gather3A_414 : vector<16xi32> to vector<16xf32>
          %bitcast3A_425 = vector.bitcast %gather3A_415 : vector<16xi32> to vector<16xf32>
          %mul3A_426 = arith.mulf %bitcast3A_419, %bitcast3A_423 : vector<16xf32>
          %add3A_427 = arith.addf %add3A_381, %mul3A_426 : vector<16xf32>
          %mul3A_428 = arith.mulf %bitcast3A_424, %bitcast3A_425 : vector<16xf32>
          %add3A_429 = arith.addf %add3A_383, %mul3A_428 : vector<16xf32>
          %add3A_430 = arith.constant 11 : i32
          %add3A_431 = arith.addi %mul3A_180, %add3A_430 : i32
          %add3A_432 = vector.broadcast %add3A_431 : i32 to vector<16xi32>
          %add3A_433 = arith.addi %iota3A, %add3A_432 : vector<16xi32>
          %and3A_434 = arith.constant 63 : i32
          %and3A_435 = vector.broadcast %and3A_434 : i32 to vector<16xi32>
          %and3A_436 = arith.andi %add3A_433, %and3A_435 : vector<16xi32>
          %gather3A_437 = tpu.vector_load_idx %arg9[%add3A_162, %and3A_436] : memref<400x64xi32, #tpu.memory_space<vmem>>[vector<16xi32>, vector<16xi32>], vector<16xi32>,
          %gather3A_438 = tpu.vector_load_idx %arg10[%add3A_162, %and3A_436] : memref<400x64xi32, #tpu.memory_space<vmem>>[vector<16xi32>, vector<16xi32>], vector<16xi32>,
          %shift_left3A_439 = arith.constant 16 : i32
          %shift_left3A_440 = vector.broadcast %shift_left3A_439 : i32 to vector<16xi32>
          %shift_left3A_441 = arith.shli %gather3A_437, %shift_left3A_440 : vector<16xi32>
          %bitcast3A_442 = vector.bitcast %shift_left3A_441 : vector<16xi32> to vector<16xf32>
          %shift_left3A_443 = arith.constant 16 : i32
          %shift_left3A_444 = vector.broadcast %shift_left3A_443 : i32 to vector<16xi32>
          %shift_left3A_445 = arith.shli %gather3A_438, %shift_left3A_444 : vector<16xi32>
          %bitcast3A_446 = vector.bitcast %shift_left3A_445 : vector<16xi32> to vector<16xf32>
          %bitcast3A_447 = vector.bitcast %gather3A_437 : vector<16xi32> to vector<16xf32>
          %bitcast3A_448 = vector.bitcast %gather3A_438 : vector<16xi32> to vector<16xf32>
          %mul3A_449 = arith.mulf %bitcast3A_442, %bitcast3A_446 : vector<16xf32>
          %add3A_450 = arith.addf %add3A_404, %mul3A_449 : vector<16xf32>
          %mul3A_451 = arith.mulf %bitcast3A_447, %bitcast3A_448 : vector<16xf32>
          %add3A_452 = arith.addf %add3A_406, %mul3A_451 : vector<16xf32>
          %add3A_453 = arith.constant 12 : i32
          %add3A_454 = arith.addi %mul3A_180, %add3A_453 : i32
          %add3A_455 = vector.broadcast %add3A_454 : i32 to vector<16xi32>
          %add3A_456 = arith.addi %iota3A, %add3A_455 : vector<16xi32>
          %and3A_457 = arith.constant 63 : i32
          %and3A_458 = vector.broadcast %and3A_457 : i32 to vector<16xi32>
          %and3A_459 = arith.andi %add3A_456, %and3A_458 : vector<16xi32>
          %gather3A_460 = tpu.vector_load_idx %arg9[%add3A_162, %and3A_459] : memref<400x64xi32, #tpu.memory_space<vmem>>[vector<16xi32>, vector<16xi32>], vector<16xi32>,
          %gather3A_461 = tpu.vector_load_idx %arg10[%add3A_162, %and3A_459] : memref<400x64xi32, #tpu.memory_space<vmem>>[vector<16xi32>, vector<16xi32>], vector<16xi32>,
          %shift_left3A_462 = arith.constant 16 : i32
          %shift_left3A_463 = vector.broadcast %shift_left3A_462 : i32 to vector<16xi32>
          %shift_left3A_464 = arith.shli %gather3A_460, %shift_left3A_463 : vector<16xi32>
          %bitcast3A_465 = vector.bitcast %shift_left3A_464 : vector<16xi32> to vector<16xf32>
          %shift_left3A_466 = arith.constant 16 : i32
          %shift_left3A_467 = vector.broadcast %shift_left3A_466 : i32 to vector<16xi32>
          %shift_left3A_468 = arith.shli %gather3A_461, %shift_left3A_467 : vector<16xi32>
          %bitcast3A_469 = vector.bitcast %shift_left3A_468 : vector<16xi32> to vector<16xf32>
          %bitcast3A_470 = vector.bitcast %gather3A_460 : vector<16xi32> to vector<16xf32>
          %bitcast3A_471 = vector.bitcast %gather3A_461 : vector<16xi32> to vector<16xf32>
          %mul3A_472 = arith.mulf %bitcast3A_465, %bitcast3A_469 : vector<16xf32>
          %add3A_473 = arith.addf %add3A_427, %mul3A_472 : vector<16xf32>
          %mul3A_474 = arith.mulf %bitcast3A_470, %bitcast3A_471 : vector<16xf32>
          %add3A_475 = arith.addf %add3A_429, %mul3A_474 : vector<16xf32>
          %add3A_476 = arith.constant 13 : i32
          %add3A_477 = arith.addi %mul3A_180, %add3A_476 : i32
          %add3A_478 = vector.broadcast %add3A_477 : i32 to vector<16xi32>
          %add3A_479 = arith.addi %iota3A, %add3A_478 : vector<16xi32>
          %and3A_480 = arith.constant 63 : i32
          %and3A_481 = vector.broadcast %and3A_480 : i32 to vector<16xi32>
          %and3A_482 = arith.andi %add3A_479, %and3A_481 : vector<16xi32>
          %gather3A_483 = tpu.vector_load_idx %arg9[%add3A_162, %and3A_482] : memref<400x64xi32, #tpu.memory_space<vmem>>[vector<16xi32>, vector<16xi32>], vector<16xi32>,
          %gather3A_484 = tpu.vector_load_idx %arg10[%add3A_162, %and3A_482] : memref<400x64xi32, #tpu.memory_space<vmem>>[vector<16xi32>, vector<16xi32>], vector<16xi32>,
          %shift_left3A_485 = arith.constant 16 : i32
          %shift_left3A_486 = vector.broadcast %shift_left3A_485 : i32 to vector<16xi32>
          %shift_left3A_487 = arith.shli %gather3A_483, %shift_left3A_486 : vector<16xi32>
          %bitcast3A_488 = vector.bitcast %shift_left3A_487 : vector<16xi32> to vector<16xf32>
          %shift_left3A_489 = arith.constant 16 : i32
          %shift_left3A_490 = vector.broadcast %shift_left3A_489 : i32 to vector<16xi32>
          %shift_left3A_491 = arith.shli %gather3A_484, %shift_left3A_490 : vector<16xi32>
          %bitcast3A_492 = vector.bitcast %shift_left3A_491 : vector<16xi32> to vector<16xf32>
          %bitcast3A_493 = vector.bitcast %gather3A_483 : vector<16xi32> to vector<16xf32>
          %bitcast3A_494 = vector.bitcast %gather3A_484 : vector<16xi32> to vector<16xf32>
          %mul3A_495 = arith.mulf %bitcast3A_488, %bitcast3A_492 : vector<16xf32>
          %add3A_496 = arith.addf %add3A_450, %mul3A_495 : vector<16xf32>
          %mul3A_497 = arith.mulf %bitcast3A_493, %bitcast3A_494 : vector<16xf32>
          %add3A_498 = arith.addf %add3A_452, %mul3A_497 : vector<16xf32>
          %add3A_499 = arith.constant 14 : i32
          %add3A_500 = arith.addi %mul3A_180, %add3A_499 : i32
          %add3A_501 = vector.broadcast %add3A_500 : i32 to vector<16xi32>
          %add3A_502 = arith.addi %iota3A, %add3A_501 : vector<16xi32>
          %and3A_503 = arith.constant 63 : i32
          %and3A_504 = vector.broadcast %and3A_503 : i32 to vector<16xi32>
          %and3A_505 = arith.andi %add3A_502, %and3A_504 : vector<16xi32>
          %gather3A_506 = tpu.vector_load_idx %arg9[%add3A_162, %and3A_505] : memref<400x64xi32, #tpu.memory_space<vmem>>[vector<16xi32>, vector<16xi32>], vector<16xi32>,
          %gather3A_507 = tpu.vector_load_idx %arg10[%add3A_162, %and3A_505] : memref<400x64xi32, #tpu.memory_space<vmem>>[vector<16xi32>, vector<16xi32>], vector<16xi32>,
          %shift_left3A_508 = arith.constant 16 : i32
          %shift_left3A_509 = vector.broadcast %shift_left3A_508 : i32 to vector<16xi32>
          %shift_left3A_510 = arith.shli %gather3A_506, %shift_left3A_509 : vector<16xi32>
          %bitcast3A_511 = vector.bitcast %shift_left3A_510 : vector<16xi32> to vector<16xf32>
          %shift_left3A_512 = arith.constant 16 : i32
          %shift_left3A_513 = vector.broadcast %shift_left3A_512 : i32 to vector<16xi32>
          %shift_left3A_514 = arith.shli %gather3A_507, %shift_left3A_513 : vector<16xi32>
          %bitcast3A_515 = vector.bitcast %shift_left3A_514 : vector<16xi32> to vector<16xf32>
          %bitcast3A_516 = vector.bitcast %gather3A_506 : vector<16xi32> to vector<16xf32>
          %bitcast3A_517 = vector.bitcast %gather3A_507 : vector<16xi32> to vector<16xf32>
          %mul3A_518 = arith.mulf %bitcast3A_511, %bitcast3A_515 : vector<16xf32>
          %add3A_519 = arith.addf %add3A_473, %mul3A_518 : vector<16xf32>
          %mul3A_520 = arith.mulf %bitcast3A_516, %bitcast3A_517 : vector<16xf32>
          %add3A_521 = arith.addf %add3A_475, %mul3A_520 : vector<16xf32>
          %add3A_522 = arith.constant 15 : i32
          %add3A_523 = arith.addi %mul3A_180, %add3A_522 : i32
          %add3A_524 = vector.broadcast %add3A_523 : i32 to vector<16xi32>
          %add3A_525 = arith.addi %iota3A, %add3A_524 : vector<16xi32>
          %and3A_526 = arith.constant 63 : i32
          %and3A_527 = vector.broadcast %and3A_526 : i32 to vector<16xi32>
          %and3A_528 = arith.andi %add3A_525, %and3A_527 : vector<16xi32>
          %gather3A_529 = tpu.vector_load_idx %arg9[%add3A_162, %and3A_528] : memref<400x64xi32, #tpu.memory_space<vmem>>[vector<16xi32>, vector<16xi32>], vector<16xi32>,
          %gather3A_530 = tpu.vector_load_idx %arg10[%add3A_162, %and3A_528] : memref<400x64xi32, #tpu.memory_space<vmem>>[vector<16xi32>, vector<16xi32>], vector<16xi32>,
          %shift_left3A_531 = arith.constant 16 : i32
          %shift_left3A_532 = vector.broadcast %shift_left3A_531 : i32 to vector<16xi32>
          %shift_left3A_533 = arith.shli %gather3A_529, %shift_left3A_532 : vector<16xi32>
          %bitcast3A_534 = vector.bitcast %shift_left3A_533 : vector<16xi32> to vector<16xf32>
          %shift_left3A_535 = arith.constant 16 : i32
          %shift_left3A_536 = vector.broadcast %shift_left3A_535 : i32 to vector<16xi32>
          %shift_left3A_537 = arith.shli %gather3A_530, %shift_left3A_536 : vector<16xi32>
          %bitcast3A_538 = vector.bitcast %shift_left3A_537 : vector<16xi32> to vector<16xf32>
          %bitcast3A_539 = vector.bitcast %gather3A_529 : vector<16xi32> to vector<16xf32>
          %bitcast3A_540 = vector.bitcast %gather3A_530 : vector<16xi32> to vector<16xf32>
          %mul3A_541 = arith.mulf %bitcast3A_534, %bitcast3A_538 : vector<16xf32>
          %add3A_542 = arith.addf %add3A_496, %mul3A_541 : vector<16xf32>
          %mul3A_543 = arith.mulf %bitcast3A_539, %bitcast3A_540 : vector<16xf32>
          %add3A_544 = arith.addf %add3A_498, %mul3A_543 : vector<16xf32>
          scf.yield %add3A_519, %add3A_521, %add3A_542, %add3A_544 : vector<16xf32>, vector<16xf32>, vector<16xf32>, vector<16xf32>
        }
        %scan3A_169 = arith.constant 4 : i32
        %add3A_170 = arith.addf %scan3A_168#0, %scan3A_168#1 : vector<16xf32>
        %add3A_171 = arith.addf %scan3A_168#2, %scan3A_168#3 : vector<16xf32>
        %add3A_172 = arith.addf %add3A_170, %add3A_171 : vector<16xf32>
        %swap3A = arith.index_cast %add3A_160 : i32 to index
        %swap3A_173 = tpu.vector_load %arg13[%swap3A] {strides = array<i32>} : memref<400xf32, #tpu.memory_space<vmem>>, vector<16xf32>,
        tpu.vector_store %arg13[%swap3A], %add3A_172 {strides = array<i32>} : memref<400xf32, #tpu.memory_space<vmem>>, vector<16xf32>,
      }
      %scan3A_99 = arith.constant 25 : i32
      %mul3A_100 = arith.constant 400 : i32
      %mul3A_101 = arith.muli %add3A_58, %mul3A_100 : i32
      %add3A_102 = arith.addi %mul3A_2, %mul3A_101 : i32
      %dma_start3A_103 = tpu.memref_slice %arg6[%add3A_102] : memref<320000xf32, #tpu.memory_space<hbm>> -> memref<400xf32, #tpu.memory_space<hbm>>
      %dma_start3A_104 = tpu.memref_slice %arg6[%add3A_102] : memref<320000xf32, #tpu.memory_space<hbm>> -> memref<400xf32, #tpu.memory_space<hbm>>
      tpu.enqueue_dma source(%arg13 : memref<400xf32, #tpu.memory_space<vmem>>) target(%dma_start3A_104 : memref<400xf32, #tpu.memory_space<hbm>>) target_semaphore(%arg20 : memref<!tpu.dma_semaphore, #tpu.memory_space<semaphore_mem>>)
      %dma_wait3A_105 = arith.constant 0 : i32
      %dma_wait3A_106 = tpu.memref_slice %arg7[%dma_wait3A_105] : memref<10000xi32, #tpu.memory_space<vmem>> -> memref<400xi32, #tpu.memory_space<vmem>>
      %dma_wait3A_107 = arith.constant 0 : i32
      %dma_wait3A_108 = arith.constant 0 : i32
      %dma_wait3A_109 = tpu.memref_slice %arg2[%dma_wait3A_107, %dma_wait3A_108] : memref<10000x64xi32, #tpu.memory_space<hbm>> -> memref<10000x64xi32, #tpu.memory_space<hbm>>
      tpu.wait_indirect_dma semaphore(%arg18 : memref<!tpu.dma_semaphore, #tpu.memory_space<semaphore_mem>>) src(%dma_wait3A_109 : memref<10000x64xi32, #tpu.memory_space<hbm>>) dst(%arg11 : memref<400x64xi32, #tpu.memory_space<vmem>>)
      %dma_wait3A_110 = arith.constant 0 : i32
      %dma_wait3A_111 = tpu.memref_slice %arg8[%dma_wait3A_110] : memref<10000xi32, #tpu.memory_space<vmem>> -> memref<400xi32, #tpu.memory_space<vmem>>
      %dma_wait3A_112 = arith.constant 0 : i32
      %dma_wait3A_113 = arith.constant 0 : i32
      %dma_wait3A_114 = tpu.memref_slice %arg3[%dma_wait3A_112, %dma_wait3A_113] : memref<10000x64xi32, #tpu.memory_space<hbm>> -> memref<10000x64xi32, #tpu.memory_space<hbm>>
      tpu.wait_indirect_dma semaphore(%arg19 : memref<!tpu.dma_semaphore, #tpu.memory_space<semaphore_mem>>) src(%dma_wait3A_114 : memref<10000x64xi32, #tpu.memory_space<hbm>>) dst(%arg12 : memref<400x64xi32, #tpu.memory_space<vmem>>)
      %add3A_115 = arith.constant 2 : i32
      %add3A_116 = arith.addi %add3A_58, %add3A_115 : i32
      %mul3A_117 = arith.constant 400 : i32
      %mul3A_118 = arith.muli %add3A_116, %mul3A_117 : i32
      %add3A_119 = arith.constant 0 : i32
      %add3A_120 = arith.addi %mul3A_118, %add3A_119 : i32
      %dma_start3A_121 = arith.constant 0 : i32
      %dma_start3A_122 = arith.constant 0 : i32
      %dma_start3A_123 = tpu.memref_slice %arg9[%dma_start3A_121, %dma_start3A_122] : memref<400x64xi32, #tpu.memory_space<vmem>> -> memref<400x64xi32, #tpu.memory_space<vmem>>
      %dma_start3A_124 = tpu.memref_slice %arg7[%add3A_120] : memref<10000xi32, #tpu.memory_space<vmem>> -> memref<400xi32, #tpu.memory_space<vmem>>
      %dma_start3A_125 = arith.constant 0 : i32
      %dma_start3A_126 = arith.constant 0 : i32
      %dma_start3A_127 = tpu.memref_slice %arg2[%dma_start3A_125, %dma_start3A_126] : memref<10000x64xi32, #tpu.memory_space<hbm>> -> memref<10000x64xi32, #tpu.memory_space<hbm>>
      tpu.enqueue_indirect_dma source(%dma_start3A_127 : memref<10000x64xi32, #tpu.memory_space<hbm>>) target(%dma_start3A_123 : memref<400x64xi32, #tpu.memory_space<vmem>>) offsets(%dma_start3A_124 : memref<400xi32, #tpu.memory_space<vmem>>) semaphore(%arg16 : memref<!tpu.dma_semaphore, #tpu.memory_space<semaphore_mem>>)
      %mul3A_128 = arith.constant 400 : i32
      %mul3A_129 = arith.muli %add3A_116, %mul3A_128 : i32
      %add3A_130 = arith.constant 0 : i32
      %add3A_131 = arith.addi %mul3A_129, %add3A_130 : i32
      %dma_start3A_132 = arith.constant 0 : i32
      %dma_start3A_133 = arith.constant 0 : i32
      %dma_start3A_134 = tpu.memref_slice %arg10[%dma_start3A_132, %dma_start3A_133] : memref<400x64xi32, #tpu.memory_space<vmem>> -> memref<400x64xi32, #tpu.memory_space<vmem>>
      %dma_start3A_135 = tpu.memref_slice %arg8[%add3A_131] : memref<10000xi32, #tpu.memory_space<vmem>> -> memref<400xi32, #tpu.memory_space<vmem>>
      %dma_start3A_136 = arith.constant 0 : i32
      %dma_start3A_137 = arith.constant 0 : i32
      %dma_start3A_138 = tpu.memref_slice %arg3[%dma_start3A_136, %dma_start3A_137] : memref<10000x64xi32, #tpu.memory_space<hbm>> -> memref<10000x64xi32, #tpu.memory_space<hbm>>
      tpu.enqueue_indirect_dma source(%dma_start3A_138 : memref<10000x64xi32, #tpu.memory_space<hbm>>) target(%dma_start3A_134 : memref<400x64xi32, #tpu.memory_space<vmem>>) offsets(%dma_start3A_135 : memref<400xi32, #tpu.memory_space<vmem>>) semaphore(%arg17 : memref<!tpu.dma_semaphore, #tpu.memory_space<semaphore_mem>>)
      %gt3A_139 = arith.constant 0 : i32
      %gt3A_140 = arith.cmpi sgt, %add3A_58, %gt3A_139 : i32
      %convert_element_type3A_141 = arith.extui %gt3A_140 : i1 to i32
      %cond3A_142 = arith.constant 0 : i32
      %cond3A_143 = arith.cmpi ne, %convert_element_type3A_141, %cond3A_142 : i32
      scf.if %cond3A_143 {
        %dma_wait3A_156 = tpu.memref_slice %arg6[%mul3A_2] : memref<320000xf32, #tpu.memory_space<hbm>> -> memref<400xf32, #tpu.memory_space<hbm>>
        %dma_wait3A_157 = tpu.memref_slice %arg6[%mul3A_2] : memref<320000xf32, #tpu.memory_space<hbm>> -> memref<400xf32, #tpu.memory_space<hbm>>
        tpu.wait_dma2 semaphore(%arg21 : memref<!tpu.dma_semaphore, #tpu.memory_space<semaphore_mem>>) src(%arg14 : memref<400xf32, #tpu.memory_space<vmem>>) dst(%dma_wait3A_157 : memref<400xf32, #tpu.memory_space<hbm>>)
      } else {
      }
      %scan3A_144 = arith.constant 0 : i32
      %scan3A_145 = arith.constant 25 : i32
      %scan3A_146 = arith.addi %scan3A_144, %scan3A_145 : i32
      %scan3A_147 = arith.constant 1 : i32
      scf.for %scan3A_156 = %scan3A_144 to %scan3A_146 step %scan3A_147  : i32 {
        %mul3A_157 = arith.constant 16 : i32
        %mul3A_158 = arith.muli %scan3A_156, %mul3A_157 : i32
        %add3A_159 = arith.constant 0 : i32
        %add3A_160 = arith.addi %add3A_159, %mul3A_158 : i32
        %iota3A = tpu.iota {dimensions = array<i32: 0>} : vector<16xi32>
        %add3A_161 = vector.broadcast %add3A_160 : i32 to vector<16xi32>
        %add3A_162 = arith.addi %add3A_161, %iota3A : vector<16xi32>
        %broadcast_in_dim3A = arith.constant 0.000000e+00 : f32
        %broadcast_in_dim3A_163 = vector.broadcast %broadcast_in_dim3A : f32 to vector<16xf32>
        %scan3A_164 = arith.constant 0 : i32
        %scan3A_165 = arith.constant 4 : i32
        %scan3A_166 = arith.addi %scan3A_164, %scan3A_165 : i32
        %scan3A_167 = arith.constant 1 : i32
        %scan3A_168:4 = scf.for %scan3A_174 = %scan3A_164 to %scan3A_166 step %scan3A_167 iter_args(%scan3A_175 = %broadcast_in_dim3A_163, %scan3A_176 = %broadcast_in_dim3A_163, %scan3A_177 = %broadcast_in_dim3A_163, %scan3A_178 = %broadcast_in_dim3A_163) -> (vector<16xf32>, vector<16xf32>, vector<16xf32>, vector<16xf32>)  : i32 {
          %mul3A_179 = arith.constant 16 : i32
          %mul3A_180 = arith.muli %scan3A_174, %mul3A_179 : i32
          %add3A_181 = arith.constant 0 : i32
          %add3A_182 = arith.addi %mul3A_180, %add3A_181 : i32
          %add3A_183 = vector.broadcast %add3A_182 : i32 to vector<16xi32>
          %add3A_184 = arith.addi %iota3A, %add3A_183 : vector<16xi32>
          %and3A = arith.constant 63 : i32
          %and3A_185 = vector.broadcast %and3A : i32 to vector<16xi32>
          %and3A_186 = arith.andi %add3A_184, %and3A_185 : vector<16xi32>
          %gather3A = tpu.vector_load_idx %arg11[%add3A_162, %and3A_186] : memref<400x64xi32, #tpu.memory_space<vmem>>[vector<16xi32>, vector<16xi32>], vector<16xi32>,
          %gather3A_187 = tpu.vector_load_idx %arg12[%add3A_162, %and3A_186] : memref<400x64xi32, #tpu.memory_space<vmem>>[vector<16xi32>, vector<16xi32>], vector<16xi32>,
          %shift_left3A = arith.constant 16 : i32
          %shift_left3A_188 = vector.broadcast %shift_left3A : i32 to vector<16xi32>
          %shift_left3A_189 = arith.shli %gather3A, %shift_left3A_188 : vector<16xi32>
          %bitcast3A = vector.bitcast %shift_left3A_189 : vector<16xi32> to vector<16xf32>
          %shift_left3A_190 = arith.constant 16 : i32
          %shift_left3A_191 = vector.broadcast %shift_left3A_190 : i32 to vector<16xi32>
          %shift_left3A_192 = arith.shli %gather3A_187, %shift_left3A_191 : vector<16xi32>
          %bitcast3A_193 = vector.bitcast %shift_left3A_192 : vector<16xi32> to vector<16xf32>
          %bitcast3A_194 = vector.bitcast %gather3A : vector<16xi32> to vector<16xf32>
          %bitcast3A_195 = vector.bitcast %gather3A_187 : vector<16xi32> to vector<16xf32>
          %mul3A_196 = arith.mulf %bitcast3A, %bitcast3A_193 : vector<16xf32>
          %add3A_197 = arith.addf %scan3A_175, %mul3A_196 : vector<16xf32>
          %mul3A_198 = arith.mulf %bitcast3A_194, %bitcast3A_195 : vector<16xf32>
          %add3A_199 = arith.addf %scan3A_176, %mul3A_198 : vector<16xf32>
          %add3A_200 = arith.constant 1 : i32
          %add3A_201 = arith.addi %mul3A_180, %add3A_200 : i32
          %add3A_202 = vector.broadcast %add3A_201 : i32 to vector<16xi32>
          %add3A_203 = arith.addi %iota3A, %add3A_202 : vector<16xi32>
          %and3A_204 = arith.constant 63 : i32
          %and3A_205 = vector.broadcast %and3A_204 : i32 to vector<16xi32>
          %and3A_206 = arith.andi %add3A_203, %and3A_205 : vector<16xi32>
          %gather3A_207 = tpu.vector_load_idx %arg11[%add3A_162, %and3A_206] : memref<400x64xi32, #tpu.memory_space<vmem>>[vector<16xi32>, vector<16xi32>], vector<16xi32>,
          %gather3A_208 = tpu.vector_load_idx %arg12[%add3A_162, %and3A_206] : memref<400x64xi32, #tpu.memory_space<vmem>>[vector<16xi32>, vector<16xi32>], vector<16xi32>,
          %shift_left3A_209 = arith.constant 16 : i32
          %shift_left3A_210 = vector.broadcast %shift_left3A_209 : i32 to vector<16xi32>
          %shift_left3A_211 = arith.shli %gather3A_207, %shift_left3A_210 : vector<16xi32>
          %bitcast3A_212 = vector.bitcast %shift_left3A_211 : vector<16xi32> to vector<16xf32>
          %shift_left3A_213 = arith.constant 16 : i32
          %shift_left3A_214 = vector.broadcast %shift_left3A_213 : i32 to vector<16xi32>
          %shift_left3A_215 = arith.shli %gather3A_208, %shift_left3A_214 : vector<16xi32>
          %bitcast3A_216 = vector.bitcast %shift_left3A_215 : vector<16xi32> to vector<16xf32>
          %bitcast3A_217 = vector.bitcast %gather3A_207 : vector<16xi32> to vector<16xf32>
          %bitcast3A_218 = vector.bitcast %gather3A_208 : vector<16xi32> to vector<16xf32>
          %mul3A_219 = arith.mulf %bitcast3A_212, %bitcast3A_216 : vector<16xf32>
          %add3A_220 = arith.addf %scan3A_177, %mul3A_219 : vector<16xf32>
          %mul3A_221 = arith.mulf %bitcast3A_217, %bitcast3A_218 : vector<16xf32>
          %add3A_222 = arith.addf %scan3A_178, %mul3A_221 : vector<16xf32>
          %add3A_223 = arith.constant 2 : i32
          %add3A_224 = arith.addi %mul3A_180, %add3A_223 : i32
          %add3A_225 = vector.broadcast %add3A_224 : i32 to vector<16xi32>
          %add3A_226 = arith.addi %iota3A, %add3A_225 : vector<16xi32>
          %and3A_227 = arith.constant 63 : i32
          %and3A_228 = vector.broadcast %and3A_227 : i32 to vector<16xi32>
          %and3A_229 = arith.andi %add3A_226, %and3A_228 : vector<16xi32>
          %gather3A_230 = tpu.vector_load_idx %arg11[%add3A_162, %and3A_229] : memref<400x64xi32, #tpu.memory_space<vmem>>[vector<16xi32>, vector<16xi32>], vector<16xi32>,
          %gather3A_231 = tpu.vector_load_idx %arg12[%add3A_162, %and3A_229] : memref<400x64xi32, #tpu.memory_space<vmem>>[vector<16xi32>, vector<16xi32>], vector<16xi32>,
          %shift_left3A_232 = arith.constant 16 : i32
          %shift_left3A_233 = vector.broadcast %shift_left3A_232 : i32 to vector<16xi32>
          %shift_left3A_234 = arith.shli %gather3A_230, %shift_left3A_233 : vector<16xi32>
          %bitcast3A_235 = vector.bitcast %shift_left3A_234 : vector<16xi32> to vector<16xf32>
          %shift_left3A_236 = arith.constant 16 : i32
          %shift_left3A_237 = vector.broadcast %shift_left3A_236 : i32 to vector<16xi32>
          %shift_left3A_238 = arith.shli %gather3A_231, %shift_left3A_237 : vector<16xi32>
          %bitcast3A_239 = vector.bitcast %shift_left3A_238 : vector<16xi32> to vector<16xf32>
          %bitcast3A_240 = vector.bitcast %gather3A_230 : vector<16xi32> to vector<16xf32>
          %bitcast3A_241 = vector.bitcast %gather3A_231 : vector<16xi32> to vector<16xf32>
          %mul3A_242 = arith.mulf %bitcast3A_235, %bitcast3A_239 : vector<16xf32>
          %add3A_243 = arith.addf %add3A_197, %mul3A_242 : vector<16xf32>
          %mul3A_244 = arith.mulf %bitcast3A_240, %bitcast3A_241 : vector<16xf32>
          %add3A_245 = arith.addf %add3A_199, %mul3A_244 : vector<16xf32>
          %add3A_246 = arith.constant 3 : i32
          %add3A_247 = arith.addi %mul3A_180, %add3A_246 : i32
          %add3A_248 = vector.broadcast %add3A_247 : i32 to vector<16xi32>
          %add3A_249 = arith.addi %iota3A, %add3A_248 : vector<16xi32>
          %and3A_250 = arith.constant 63 : i32
          %and3A_251 = vector.broadcast %and3A_250 : i32 to vector<16xi32>
          %and3A_252 = arith.andi %add3A_249, %and3A_251 : vector<16xi32>
          %gather3A_253 = tpu.vector_load_idx %arg11[%add3A_162, %and3A_252] : memref<400x64xi32, #tpu.memory_space<vmem>>[vector<16xi32>, vector<16xi32>], vector<16xi32>,
          %gather3A_254 = tpu.vector_load_idx %arg12[%add3A_162, %and3A_252] : memref<400x64xi32, #tpu.memory_space<vmem>>[vector<16xi32>, vector<16xi32>], vector<16xi32>,
          %shift_left3A_255 = arith.constant 16 : i32
          %shift_left3A_256 = vector.broadcast %shift_left3A_255 : i32 to vector<16xi32>
          %shift_left3A_257 = arith.shli %gather3A_253, %shift_left3A_256 : vector<16xi32>
          %bitcast3A_258 = vector.bitcast %shift_left3A_257 : vector<16xi32> to vector<16xf32>
          %shift_left3A_259 = arith.constant 16 : i32
          %shift_left3A_260 = vector.broadcast %shift_left3A_259 : i32 to vector<16xi32>
          %shift_left3A_261 = arith.shli %gather3A_254, %shift_left3A_260 : vector<16xi32>
          %bitcast3A_262 = vector.bitcast %shift_left3A_261 : vector<16xi32> to vector<16xf32>
          %bitcast3A_263 = vector.bitcast %gather3A_253 : vector<16xi32> to vector<16xf32>
          %bitcast3A_264 = vector.bitcast %gather3A_254 : vector<16xi32> to vector<16xf32>
          %mul3A_265 = arith.mulf %bitcast3A_258, %bitcast3A_262 : vector<16xf32>
          %add3A_266 = arith.addf %add3A_220, %mul3A_265 : vector<16xf32>
          %mul3A_267 = arith.mulf %bitcast3A_263, %bitcast3A_264 : vector<16xf32>
          %add3A_268 = arith.addf %add3A_222, %mul3A_267 : vector<16xf32>
          %add3A_269 = arith.constant 4 : i32
          %add3A_270 = arith.addi %mul3A_180, %add3A_269 : i32
          %add3A_271 = vector.broadcast %add3A_270 : i32 to vector<16xi32>
          %add3A_272 = arith.addi %iota3A, %add3A_271 : vector<16xi32>
          %and3A_273 = arith.constant 63 : i32
          %and3A_274 = vector.broadcast %and3A_273 : i32 to vector<16xi32>
          %and3A_275 = arith.andi %add3A_272, %and3A_274 : vector<16xi32>
          %gather3A_276 = tpu.vector_load_idx %arg11[%add3A_162, %and3A_275] : memref<400x64xi32, #tpu.memory_space<vmem>>[vector<16xi32>, vector<16xi32>], vector<16xi32>,
          %gather3A_277 = tpu.vector_load_idx %arg12[%add3A_162, %and3A_275] : memref<400x64xi32, #tpu.memory_space<vmem>>[vector<16xi32>, vector<16xi32>], vector<16xi32>,
          %shift_left3A_278 = arith.constant 16 : i32
          %shift_left3A_279 = vector.broadcast %shift_left3A_278 : i32 to vector<16xi32>
          %shift_left3A_280 = arith.shli %gather3A_276, %shift_left3A_279 : vector<16xi32>
          %bitcast3A_281 = vector.bitcast %shift_left3A_280 : vector<16xi32> to vector<16xf32>
          %shift_left3A_282 = arith.constant 16 : i32
          %shift_left3A_283 = vector.broadcast %shift_left3A_282 : i32 to vector<16xi32>
          %shift_left3A_284 = arith.shli %gather3A_277, %shift_left3A_283 : vector<16xi32>
          %bitcast3A_285 = vector.bitcast %shift_left3A_284 : vector<16xi32> to vector<16xf32>
          %bitcast3A_286 = vector.bitcast %gather3A_276 : vector<16xi32> to vector<16xf32>
          %bitcast3A_287 = vector.bitcast %gather3A_277 : vector<16xi32> to vector<16xf32>
          %mul3A_288 = arith.mulf %bitcast3A_281, %bitcast3A_285 : vector<16xf32>
          %add3A_289 = arith.addf %add3A_243, %mul3A_288 : vector<16xf32>
          %mul3A_290 = arith.mulf %bitcast3A_286, %bitcast3A_287 : vector<16xf32>
          %add3A_291 = arith.addf %add3A_245, %mul3A_290 : vector<16xf32>
          %add3A_292 = arith.constant 5 : i32
          %add3A_293 = arith.addi %mul3A_180, %add3A_292 : i32
          %add3A_294 = vector.broadcast %add3A_293 : i32 to vector<16xi32>
          %add3A_295 = arith.addi %iota3A, %add3A_294 : vector<16xi32>
          %and3A_296 = arith.constant 63 : i32
          %and3A_297 = vector.broadcast %and3A_296 : i32 to vector<16xi32>
          %and3A_298 = arith.andi %add3A_295, %and3A_297 : vector<16xi32>
          %gather3A_299 = tpu.vector_load_idx %arg11[%add3A_162, %and3A_298] : memref<400x64xi32, #tpu.memory_space<vmem>>[vector<16xi32>, vector<16xi32>], vector<16xi32>,
          %gather3A_300 = tpu.vector_load_idx %arg12[%add3A_162, %and3A_298] : memref<400x64xi32, #tpu.memory_space<vmem>>[vector<16xi32>, vector<16xi32>], vector<16xi32>,
          %shift_left3A_301 = arith.constant 16 : i32
          %shift_left3A_302 = vector.broadcast %shift_left3A_301 : i32 to vector<16xi32>
          %shift_left3A_303 = arith.shli %gather3A_299, %shift_left3A_302 : vector<16xi32>
          %bitcast3A_304 = vector.bitcast %shift_left3A_303 : vector<16xi32> to vector<16xf32>
          %shift_left3A_305 = arith.constant 16 : i32
          %shift_left3A_306 = vector.broadcast %shift_left3A_305 : i32 to vector<16xi32>
          %shift_left3A_307 = arith.shli %gather3A_300, %shift_left3A_306 : vector<16xi32>
          %bitcast3A_308 = vector.bitcast %shift_left3A_307 : vector<16xi32> to vector<16xf32>
          %bitcast3A_309 = vector.bitcast %gather3A_299 : vector<16xi32> to vector<16xf32>
          %bitcast3A_310 = vector.bitcast %gather3A_300 : vector<16xi32> to vector<16xf32>
          %mul3A_311 = arith.mulf %bitcast3A_304, %bitcast3A_308 : vector<16xf32>
          %add3A_312 = arith.addf %add3A_266, %mul3A_311 : vector<16xf32>
          %mul3A_313 = arith.mulf %bitcast3A_309, %bitcast3A_310 : vector<16xf32>
          %add3A_314 = arith.addf %add3A_268, %mul3A_313 : vector<16xf32>
          %add3A_315 = arith.constant 6 : i32
          %add3A_316 = arith.addi %mul3A_180, %add3A_315 : i32
          %add3A_317 = vector.broadcast %add3A_316 : i32 to vector<16xi32>
          %add3A_318 = arith.addi %iota3A, %add3A_317 : vector<16xi32>
          %and3A_319 = arith.constant 63 : i32
          %and3A_320 = vector.broadcast %and3A_319 : i32 to vector<16xi32>
          %and3A_321 = arith.andi %add3A_318, %and3A_320 : vector<16xi32>
          %gather3A_322 = tpu.vector_load_idx %arg11[%add3A_162, %and3A_321] : memref<400x64xi32, #tpu.memory_space<vmem>>[vector<16xi32>, vector<16xi32>], vector<16xi32>,
          %gather3A_323 = tpu.vector_load_idx %arg12[%add3A_162, %and3A_321] : memref<400x64xi32, #tpu.memory_space<vmem>>[vector<16xi32>, vector<16xi32>], vector<16xi32>,
          %shift_left3A_324 = arith.constant 16 : i32
          %shift_left3A_325 = vector.broadcast %shift_left3A_324 : i32 to vector<16xi32>
          %shift_left3A_326 = arith.shli %gather3A_322, %shift_left3A_325 : vector<16xi32>
          %bitcast3A_327 = vector.bitcast %shift_left3A_326 : vector<16xi32> to vector<16xf32>
          %shift_left3A_328 = arith.constant 16 : i32
          %shift_left3A_329 = vector.broadcast %shift_left3A_328 : i32 to vector<16xi32>
          %shift_left3A_330 = arith.shli %gather3A_323, %shift_left3A_329 : vector<16xi32>
          %bitcast3A_331 = vector.bitcast %shift_left3A_330 : vector<16xi32> to vector<16xf32>
          %bitcast3A_332 = vector.bitcast %gather3A_322 : vector<16xi32> to vector<16xf32>
          %bitcast3A_333 = vector.bitcast %gather3A_323 : vector<16xi32> to vector<16xf32>
          %mul3A_334 = arith.mulf %bitcast3A_327, %bitcast3A_331 : vector<16xf32>
          %add3A_335 = arith.addf %add3A_289, %mul3A_334 : vector<16xf32>
          %mul3A_336 = arith.mulf %bitcast3A_332, %bitcast3A_333 : vector<16xf32>
          %add3A_337 = arith.addf %add3A_291, %mul3A_336 : vector<16xf32>
          %add3A_338 = arith.constant 7 : i32
          %add3A_339 = arith.addi %mul3A_180, %add3A_338 : i32
          %add3A_340 = vector.broadcast %add3A_339 : i32 to vector<16xi32>
          %add3A_341 = arith.addi %iota3A, %add3A_340 : vector<16xi32>
          %and3A_342 = arith.constant 63 : i32
          %and3A_343 = vector.broadcast %and3A_342 : i32 to vector<16xi32>
          %and3A_344 = arith.andi %add3A_341, %and3A_343 : vector<16xi32>
          %gather3A_345 = tpu.vector_load_idx %arg11[%add3A_162, %and3A_344] : memref<400x64xi32, #tpu.memory_space<vmem>>[vector<16xi32>, vector<16xi32>], vector<16xi32>,
          %gather3A_346 = tpu.vector_load_idx %arg12[%add3A_162, %and3A_344] : memref<400x64xi32, #tpu.memory_space<vmem>>[vector<16xi32>, vector<16xi32>], vector<16xi32>,
          %shift_left3A_347 = arith.constant 16 : i32
          %shift_left3A_348 = vector.broadcast %shift_left3A_347 : i32 to vector<16xi32>
          %shift_left3A_349 = arith.shli %gather3A_345, %shift_left3A_348 : vector<16xi32>
          %bitcast3A_350 = vector.bitcast %shift_left3A_349 : vector<16xi32> to vector<16xf32>
          %shift_left3A_351 = arith.constant 16 : i32
          %shift_left3A_352 = vector.broadcast %shift_left3A_351 : i32 to vector<16xi32>
          %shift_left3A_353 = arith.shli %gather3A_346, %shift_left3A_352 : vector<16xi32>
          %bitcast3A_354 = vector.bitcast %shift_left3A_353 : vector<16xi32> to vector<16xf32>
          %bitcast3A_355 = vector.bitcast %gather3A_345 : vector<16xi32> to vector<16xf32>
          %bitcast3A_356 = vector.bitcast %gather3A_346 : vector<16xi32> to vector<16xf32>
          %mul3A_357 = arith.mulf %bitcast3A_350, %bitcast3A_354 : vector<16xf32>
          %add3A_358 = arith.addf %add3A_312, %mul3A_357 : vector<16xf32>
          %mul3A_359 = arith.mulf %bitcast3A_355, %bitcast3A_356 : vector<16xf32>
          %add3A_360 = arith.addf %add3A_314, %mul3A_359 : vector<16xf32>
          %add3A_361 = arith.constant 8 : i32
          %add3A_362 = arith.addi %mul3A_180, %add3A_361 : i32
          %add3A_363 = vector.broadcast %add3A_362 : i32 to vector<16xi32>
          %add3A_364 = arith.addi %iota3A, %add3A_363 : vector<16xi32>
          %and3A_365 = arith.constant 63 : i32
          %and3A_366 = vector.broadcast %and3A_365 : i32 to vector<16xi32>
          %and3A_367 = arith.andi %add3A_364, %and3A_366 : vector<16xi32>
          %gather3A_368 = tpu.vector_load_idx %arg11[%add3A_162, %and3A_367] : memref<400x64xi32, #tpu.memory_space<vmem>>[vector<16xi32>, vector<16xi32>], vector<16xi32>,
          %gather3A_369 = tpu.vector_load_idx %arg12[%add3A_162, %and3A_367] : memref<400x64xi32, #tpu.memory_space<vmem>>[vector<16xi32>, vector<16xi32>], vector<16xi32>,
          %shift_left3A_370 = arith.constant 16 : i32
          %shift_left3A_371 = vector.broadcast %shift_left3A_370 : i32 to vector<16xi32>
          %shift_left3A_372 = arith.shli %gather3A_368, %shift_left3A_371 : vector<16xi32>
          %bitcast3A_373 = vector.bitcast %shift_left3A_372 : vector<16xi32> to vector<16xf32>
          %shift_left3A_374 = arith.constant 16 : i32
          %shift_left3A_375 = vector.broadcast %shift_left3A_374 : i32 to vector<16xi32>
          %shift_left3A_376 = arith.shli %gather3A_369, %shift_left3A_375 : vector<16xi32>
          %bitcast3A_377 = vector.bitcast %shift_left3A_376 : vector<16xi32> to vector<16xf32>
          %bitcast3A_378 = vector.bitcast %gather3A_368 : vector<16xi32> to vector<16xf32>
          %bitcast3A_379 = vector.bitcast %gather3A_369 : vector<16xi32> to vector<16xf32>
          %mul3A_380 = arith.mulf %bitcast3A_373, %bitcast3A_377 : vector<16xf32>
          %add3A_381 = arith.addf %add3A_335, %mul3A_380 : vector<16xf32>
          %mul3A_382 = arith.mulf %bitcast3A_378, %bitcast3A_379 : vector<16xf32>
          %add3A_383 = arith.addf %add3A_337, %mul3A_382 : vector<16xf32>
          %add3A_384 = arith.constant 9 : i32
          %add3A_385 = arith.addi %mul3A_180, %add3A_384 : i32
          %add3A_386 = vector.broadcast %add3A_385 : i32 to vector<16xi32>
          %add3A_387 = arith.addi %iota3A, %add3A_386 : vector<16xi32>
          %and3A_388 = arith.constant 63 : i32
          %and3A_389 = vector.broadcast %and3A_388 : i32 to vector<16xi32>
          %and3A_390 = arith.andi %add3A_387, %and3A_389 : vector<16xi32>
          %gather3A_391 = tpu.vector_load_idx %arg11[%add3A_162, %and3A_390] : memref<400x64xi32, #tpu.memory_space<vmem>>[vector<16xi32>, vector<16xi32>], vector<16xi32>,
          %gather3A_392 = tpu.vector_load_idx %arg12[%add3A_162, %and3A_390] : memref<400x64xi32, #tpu.memory_space<vmem>>[vector<16xi32>, vector<16xi32>], vector<16xi32>,
          %shift_left3A_393 = arith.constant 16 : i32
          %shift_left3A_394 = vector.broadcast %shift_left3A_393 : i32 to vector<16xi32>
          %shift_left3A_395 = arith.shli %gather3A_391, %shift_left3A_394 : vector<16xi32>
          %bitcast3A_396 = vector.bitcast %shift_left3A_395 : vector<16xi32> to vector<16xf32>
          %shift_left3A_397 = arith.constant 16 : i32
          %shift_left3A_398 = vector.broadcast %shift_left3A_397 : i32 to vector<16xi32>
          %shift_left3A_399 = arith.shli %gather3A_392, %shift_left3A_398 : vector<16xi32>
          %bitcast3A_400 = vector.bitcast %shift_left3A_399 : vector<16xi32> to vector<16xf32>
          %bitcast3A_401 = vector.bitcast %gather3A_391 : vector<16xi32> to vector<16xf32>
          %bitcast3A_402 = vector.bitcast %gather3A_392 : vector<16xi32> to vector<16xf32>
          %mul3A_403 = arith.mulf %bitcast3A_396, %bitcast3A_400 : vector<16xf32>
          %add3A_404 = arith.addf %add3A_358, %mul3A_403 : vector<16xf32>
          %mul3A_405 = arith.mulf %bitcast3A_401, %bitcast3A_402 : vector<16xf32>
          %add3A_406 = arith.addf %add3A_360, %mul3A_405 : vector<16xf32>
          %add3A_407 = arith.constant 10 : i32
          %add3A_408 = arith.addi %mul3A_180, %add3A_407 : i32
          %add3A_409 = vector.broadcast %add3A_408 : i32 to vector<16xi32>
          %add3A_410 = arith.addi %iota3A, %add3A_409 : vector<16xi32>
          %and3A_411 = arith.constant 63 : i32
          %and3A_412 = vector.broadcast %and3A_411 : i32 to vector<16xi32>
          %and3A_413 = arith.andi %add3A_410, %and3A_412 : vector<16xi32>
          %gather3A_414 = tpu.vector_load_idx %arg11[%add3A_162, %and3A_413] : memref<400x64xi32, #tpu.memory_space<vmem>>[vector<16xi32>, vector<16xi32>], vector<16xi32>,
          %gather3A_415 = tpu.vector_load_idx %arg12[%add3A_162, %and3A_413] : memref<400x64xi32, #tpu.memory_space<vmem>>[vector<16xi32>, vector<16xi32>], vector<16xi32>,
          %shift_left3A_416 = arith.constant 16 : i32
          %shift_left3A_417 = vector.broadcast %shift_left3A_416 : i32 to vector<16xi32>
          %shift_left3A_418 = arith.shli %gather3A_414, %shift_left3A_417 : vector<16xi32>
          %bitcast3A_419 = vector.bitcast %shift_left3A_418 : vector<16xi32> to vector<16xf32>
          %shift_left3A_420 = arith.constant 16 : i32
          %shift_left3A_421 = vector.broadcast %shift_left3A_420 : i32 to vector<16xi32>
          %shift_left3A_422 = arith.shli %gather3A_415, %shift_left3A_421 : vector<16xi32>
          %bitcast3A_423 = vector.bitcast %shift_left3A_422 : vector<16xi32> to vector<16xf32>
          %bitcast3A_424 = vector.bitcast %gather3A_414 : vector<16xi32> to vector<16xf32>
          %bitcast3A_425 = vector.bitcast %gather3A_415 : vector<16xi32> to vector<16xf32>
          %mul3A_426 = arith.mulf %bitcast3A_419, %bitcast3A_423 : vector<16xf32>
          %add3A_427 = arith.addf %add3A_381, %mul3A_426 : vector<16xf32>
          %mul3A_428 = arith.mulf %bitcast3A_424, %bitcast3A_425 : vector<16xf32>
          %add3A_429 = arith.addf %add3A_383, %mul3A_428 : vector<16xf32>
          %add3A_430 = arith.constant 11 : i32
          %add3A_431 = arith.addi %mul3A_180, %add3A_430 : i32
          %add3A_432 = vector.broadcast %add3A_431 : i32 to vector<16xi32>
          %add3A_433 = arith.addi %iota3A, %add3A_432 : vector<16xi32>
          %and3A_434 = arith.constant 63 : i32
          %and3A_435 = vector.broadcast %and3A_434 : i32 to vector<16xi32>
          %and3A_436 = arith.andi %add3A_433, %and3A_435 : vector<16xi32>
          %gather3A_437 = tpu.vector_load_idx %arg11[%add3A_162, %and3A_436] : memref<400x64xi32, #tpu.memory_space<vmem>>[vector<16xi32>, vector<16xi32>], vector<16xi32>,
          %gather3A_438 = tpu.vector_load_idx %arg12[%add3A_162, %and3A_436] : memref<400x64xi32, #tpu.memory_space<vmem>>[vector<16xi32>, vector<16xi32>], vector<16xi32>,
          %shift_left3A_439 = arith.constant 16 : i32
          %shift_left3A_440 = vector.broadcast %shift_left3A_439 : i32 to vector<16xi32>
          %shift_left3A_441 = arith.shli %gather3A_437, %shift_left3A_440 : vector<16xi32>
          %bitcast3A_442 = vector.bitcast %shift_left3A_441 : vector<16xi32> to vector<16xf32>
          %shift_left3A_443 = arith.constant 16 : i32
          %shift_left3A_444 = vector.broadcast %shift_left3A_443 : i32 to vector<16xi32>
          %shift_left3A_445 = arith.shli %gather3A_438, %shift_left3A_444 : vector<16xi32>
          %bitcast3A_446 = vector.bitcast %shift_left3A_445 : vector<16xi32> to vector<16xf32>
          %bitcast3A_447 = vector.bitcast %gather3A_437 : vector<16xi32> to vector<16xf32>
          %bitcast3A_448 = vector.bitcast %gather3A_438 : vector<16xi32> to vector<16xf32>
          %mul3A_449 = arith.mulf %bitcast3A_442, %bitcast3A_446 : vector<16xf32>
          %add3A_450 = arith.addf %add3A_404, %mul3A_449 : vector<16xf32>
          %mul3A_451 = arith.mulf %bitcast3A_447, %bitcast3A_448 : vector<16xf32>
          %add3A_452 = arith.addf %add3A_406, %mul3A_451 : vector<16xf32>
          %add3A_453 = arith.constant 12 : i32
          %add3A_454 = arith.addi %mul3A_180, %add3A_453 : i32
          %add3A_455 = vector.broadcast %add3A_454 : i32 to vector<16xi32>
          %add3A_456 = arith.addi %iota3A, %add3A_455 : vector<16xi32>
          %and3A_457 = arith.constant 63 : i32
          %and3A_458 = vector.broadcast %and3A_457 : i32 to vector<16xi32>
          %and3A_459 = arith.andi %add3A_456, %and3A_458 : vector<16xi32>
          %gather3A_460 = tpu.vector_load_idx %arg11[%add3A_162, %and3A_459] : memref<400x64xi32, #tpu.memory_space<vmem>>[vector<16xi32>, vector<16xi32>], vector<16xi32>,
          %gather3A_461 = tpu.vector_load_idx %arg12[%add3A_162, %and3A_459] : memref<400x64xi32, #tpu.memory_space<vmem>>[vector<16xi32>, vector<16xi32>], vector<16xi32>,
          %shift_left3A_462 = arith.constant 16 : i32
          %shift_left3A_463 = vector.broadcast %shift_left3A_462 : i32 to vector<16xi32>
          %shift_left3A_464 = arith.shli %gather3A_460, %shift_left3A_463 : vector<16xi32>
          %bitcast3A_465 = vector.bitcast %shift_left3A_464 : vector<16xi32> to vector<16xf32>
          %shift_left3A_466 = arith.constant 16 : i32
          %shift_left3A_467 = vector.broadcast %shift_left3A_466 : i32 to vector<16xi32>
          %shift_left3A_468 = arith.shli %gather3A_461, %shift_left3A_467 : vector<16xi32>
          %bitcast3A_469 = vector.bitcast %shift_left3A_468 : vector<16xi32> to vector<16xf32>
          %bitcast3A_470 = vector.bitcast %gather3A_460 : vector<16xi32> to vector<16xf32>
          %bitcast3A_471 = vector.bitcast %gather3A_461 : vector<16xi32> to vector<16xf32>
          %mul3A_472 = arith.mulf %bitcast3A_465, %bitcast3A_469 : vector<16xf32>
          %add3A_473 = arith.addf %add3A_427, %mul3A_472 : vector<16xf32>
          %mul3A_474 = arith.mulf %bitcast3A_470, %bitcast3A_471 : vector<16xf32>
          %add3A_475 = arith.addf %add3A_429, %mul3A_474 : vector<16xf32>
          %add3A_476 = arith.constant 13 : i32
          %add3A_477 = arith.addi %mul3A_180, %add3A_476 : i32
          %add3A_478 = vector.broadcast %add3A_477 : i32 to vector<16xi32>
          %add3A_479 = arith.addi %iota3A, %add3A_478 : vector<16xi32>
          %and3A_480 = arith.constant 63 : i32
          %and3A_481 = vector.broadcast %and3A_480 : i32 to vector<16xi32>
          %and3A_482 = arith.andi %add3A_479, %and3A_481 : vector<16xi32>
          %gather3A_483 = tpu.vector_load_idx %arg11[%add3A_162, %and3A_482] : memref<400x64xi32, #tpu.memory_space<vmem>>[vector<16xi32>, vector<16xi32>], vector<16xi32>,
          %gather3A_484 = tpu.vector_load_idx %arg12[%add3A_162, %and3A_482] : memref<400x64xi32, #tpu.memory_space<vmem>>[vector<16xi32>, vector<16xi32>], vector<16xi32>,
          %shift_left3A_485 = arith.constant 16 : i32
          %shift_left3A_486 = vector.broadcast %shift_left3A_485 : i32 to vector<16xi32>
          %shift_left3A_487 = arith.shli %gather3A_483, %shift_left3A_486 : vector<16xi32>
          %bitcast3A_488 = vector.bitcast %shift_left3A_487 : vector<16xi32> to vector<16xf32>
          %shift_left3A_489 = arith.constant 16 : i32
          %shift_left3A_490 = vector.broadcast %shift_left3A_489 : i32 to vector<16xi32>
          %shift_left3A_491 = arith.shli %gather3A_484, %shift_left3A_490 : vector<16xi32>
          %bitcast3A_492 = vector.bitcast %shift_left3A_491 : vector<16xi32> to vector<16xf32>
          %bitcast3A_493 = vector.bitcast %gather3A_483 : vector<16xi32> to vector<16xf32>
          %bitcast3A_494 = vector.bitcast %gather3A_484 : vector<16xi32> to vector<16xf32>
          %mul3A_495 = arith.mulf %bitcast3A_488, %bitcast3A_492 : vector<16xf32>
          %add3A_496 = arith.addf %add3A_450, %mul3A_495 : vector<16xf32>
          %mul3A_497 = arith.mulf %bitcast3A_493, %bitcast3A_494 : vector<16xf32>
          %add3A_498 = arith.addf %add3A_452, %mul3A_497 : vector<16xf32>
          %add3A_499 = arith.constant 14 : i32
          %add3A_500 = arith.addi %mul3A_180, %add3A_499 : i32
          %add3A_501 = vector.broadcast %add3A_500 : i32 to vector<16xi32>
          %add3A_502 = arith.addi %iota3A, %add3A_501 : vector<16xi32>
          %and3A_503 = arith.constant 63 : i32
          %and3A_504 = vector.broadcast %and3A_503 : i32 to vector<16xi32>
          %and3A_505 = arith.andi %add3A_502, %and3A_504 : vector<16xi32>
          %gather3A_506 = tpu.vector_load_idx %arg11[%add3A_162, %and3A_505] : memref<400x64xi32, #tpu.memory_space<vmem>>[vector<16xi32>, vector<16xi32>], vector<16xi32>,
          %gather3A_507 = tpu.vector_load_idx %arg12[%add3A_162, %and3A_505] : memref<400x64xi32, #tpu.memory_space<vmem>>[vector<16xi32>, vector<16xi32>], vector<16xi32>,
          %shift_left3A_508 = arith.constant 16 : i32
          %shift_left3A_509 = vector.broadcast %shift_left3A_508 : i32 to vector<16xi32>
          %shift_left3A_510 = arith.shli %gather3A_506, %shift_left3A_509 : vector<16xi32>
          %bitcast3A_511 = vector.bitcast %shift_left3A_510 : vector<16xi32> to vector<16xf32>
          %shift_left3A_512 = arith.constant 16 : i32
          %shift_left3A_513 = vector.broadcast %shift_left3A_512 : i32 to vector<16xi32>
          %shift_left3A_514 = arith.shli %gather3A_507, %shift_left3A_513 : vector<16xi32>
          %bitcast3A_515 = vector.bitcast %shift_left3A_514 : vector<16xi32> to vector<16xf32>
          %bitcast3A_516 = vector.bitcast %gather3A_506 : vector<16xi32> to vector<16xf32>
          %bitcast3A_517 = vector.bitcast %gather3A_507 : vector<16xi32> to vector<16xf32>
          %mul3A_518 = arith.mulf %bitcast3A_511, %bitcast3A_515 : vector<16xf32>
          %add3A_519 = arith.addf %add3A_473, %mul3A_518 : vector<16xf32>
          %mul3A_520 = arith.mulf %bitcast3A_516, %bitcast3A_517 : vector<16xf32>
          %add3A_521 = arith.addf %add3A_475, %mul3A_520 : vector<16xf32>
          %add3A_522 = arith.constant 15 : i32
          %add3A_523 = arith.addi %mul3A_180, %add3A_522 : i32
          %add3A_524 = vector.broadcast %add3A_523 : i32 to vector<16xi32>
          %add3A_525 = arith.addi %iota3A, %add3A_524 : vector<16xi32>
          %and3A_526 = arith.constant 63 : i32
          %and3A_527 = vector.broadcast %and3A_526 : i32 to vector<16xi32>
          %and3A_528 = arith.andi %add3A_525, %and3A_527 : vector<16xi32>
          %gather3A_529 = tpu.vector_load_idx %arg11[%add3A_162, %and3A_528] : memref<400x64xi32, #tpu.memory_space<vmem>>[vector<16xi32>, vector<16xi32>], vector<16xi32>,
          %gather3A_530 = tpu.vector_load_idx %arg12[%add3A_162, %and3A_528] : memref<400x64xi32, #tpu.memory_space<vmem>>[vector<16xi32>, vector<16xi32>], vector<16xi32>,
          %shift_left3A_531 = arith.constant 16 : i32
          %shift_left3A_532 = vector.broadcast %shift_left3A_531 : i32 to vector<16xi32>
          %shift_left3A_533 = arith.shli %gather3A_529, %shift_left3A_532 : vector<16xi32>
          %bitcast3A_534 = vector.bitcast %shift_left3A_533 : vector<16xi32> to vector<16xf32>
          %shift_left3A_535 = arith.constant 16 : i32
          %shift_left3A_536 = vector.broadcast %shift_left3A_535 : i32 to vector<16xi32>
          %shift_left3A_537 = arith.shli %gather3A_530, %shift_left3A_536 : vector<16xi32>
          %bitcast3A_538 = vector.bitcast %shift_left3A_537 : vector<16xi32> to vector<16xf32>
          %bitcast3A_539 = vector.bitcast %gather3A_529 : vector<16xi32> to vector<16xf32>
          %bitcast3A_540 = vector.bitcast %gather3A_530 : vector<16xi32> to vector<16xf32>
          %mul3A_541 = arith.mulf %bitcast3A_534, %bitcast3A_538 : vector<16xf32>
          %add3A_542 = arith.addf %add3A_496, %mul3A_541 : vector<16xf32>
          %mul3A_543 = arith.mulf %bitcast3A_539, %bitcast3A_540 : vector<16xf32>
          %add3A_544 = arith.addf %add3A_498, %mul3A_543 : vector<16xf32>
          scf.yield %add3A_519, %add3A_521, %add3A_542, %add3A_544 : vector<16xf32>, vector<16xf32>, vector<16xf32>, vector<16xf32>
        }
        %scan3A_169 = arith.constant 4 : i32
        %add3A_170 = arith.addf %scan3A_168#0, %scan3A_168#1 : vector<16xf32>
        %add3A_171 = arith.addf %scan3A_168#2, %scan3A_168#3 : vector<16xf32>
        %add3A_172 = arith.addf %add3A_170, %add3A_171 : vector<16xf32>
        %swap3A = arith.index_cast %add3A_160 : i32 to index
        %swap3A_173 = tpu.vector_load %arg14[%swap3A] {strides = array<i32>} : memref<400xf32, #tpu.memory_space<vmem>>, vector<16xf32>,
        tpu.vector_store %arg14[%swap3A], %add3A_172 {strides = array<i32>} : memref<400xf32, #tpu.memory_space<vmem>>, vector<16xf32>,
      }
      %scan3A_148 = arith.constant 25 : i32
      %add3A_149 = arith.constant 1 : i32
      %add3A_150 = arith.addi %add3A_58, %add3A_149 : i32
      %mul3A_151 = arith.constant 400 : i32
      %mul3A_152 = arith.muli %add3A_150, %mul3A_151 : i32
      %add3A_153 = arith.addi %mul3A_2, %mul3A_152 : i32
      %dma_start3A_154 = tpu.memref_slice %arg6[%add3A_153] : memref<320000xf32, #tpu.memory_space<hbm>> -> memref<400xf32, #tpu.memory_space<hbm>>
      %dma_start3A_155 = tpu.memref_slice %arg6[%add3A_153] : memref<320000xf32, #tpu.memory_space<hbm>> -> memref<400xf32, #tpu.memory_space<hbm>>
      tpu.enqueue_dma source(%arg14 : memref<400xf32, #tpu.memory_space<vmem>>) target(%dma_start3A_155 : memref<400xf32, #tpu.memory_space<hbm>>) target_semaphore(%arg21 : memref<!tpu.dma_semaphore, #tpu.memory_space<semaphore_mem>>)
    }
    %scan3A_28 = arith.constant 12 : i32
    %dma_wait3A_29 = arith.constant 0 : i32
    %dma_wait3A_30 = tpu.memref_slice %arg7[%dma_wait3A_29] : memref<10000xi32, #tpu.memory_space<vmem>> -> memref<400xi32, #tpu.memory_space<vmem>>
    %dma_wait3A_31 = arith.constant 0 : i32
    %dma_wait3A_32 = arith.constant 0 : i32
    %dma_wait3A_33 = tpu.memref_slice %arg2[%dma_wait3A_31, %dma_wait3A_32] : memref<10000x64xi32, #tpu.memory_space<hbm>> -> memref<10000x64xi32, #tpu.memory_space<hbm>>
    tpu.wait_indirect_dma semaphore(%arg16 : memref<!tpu.dma_semaphore, #tpu.memory_space<semaphore_mem>>) src(%dma_wait3A_33 : memref<10000x64xi32, #tpu.memory_space<hbm>>) dst(%arg9 : memref<400x64xi32, #tpu.memory_space<vmem>>)
    %dma_wait3A_34 = arith.constant 0 : i32
    %dma_wait3A_35 = tpu.memref_slice %arg8[%dma_wait3A_34] : memref<10000xi32, #tpu.memory_space<vmem>> -> memref<400xi32, #tpu.memory_space<vmem>>
    %dma_wait3A_36 = arith.constant 0 : i32
    %dma_wait3A_37 = arith.constant 0 : i32
    %dma_wait3A_38 = tpu.memref_slice %arg3[%dma_wait3A_36, %dma_wait3A_37] : memref<10000x64xi32, #tpu.memory_space<hbm>> -> memref<10000x64xi32, #tpu.memory_space<hbm>>
    tpu.wait_indirect_dma semaphore(%arg17 : memref<!tpu.dma_semaphore, #tpu.memory_space<semaphore_mem>>) src(%dma_wait3A_38 : memref<10000x64xi32, #tpu.memory_space<hbm>>) dst(%arg10 : memref<400x64xi32, #tpu.memory_space<vmem>>)
    %dma_wait3A_39 = tpu.memref_slice %arg6[%mul3A_2] : memref<320000xf32, #tpu.memory_space<hbm>> -> memref<400xf32, #tpu.memory_space<hbm>>
    %dma_wait3A_40 = tpu.memref_slice %arg6[%mul3A_2] : memref<320000xf32, #tpu.memory_space<hbm>> -> memref<400xf32, #tpu.memory_space<hbm>>
    tpu.wait_dma2 semaphore(%arg20 : memref<!tpu.dma_semaphore, #tpu.memory_space<semaphore_mem>>) src(%arg13 : memref<400xf32, #tpu.memory_space<vmem>>) dst(%dma_wait3A_40 : memref<400xf32, #tpu.memory_space<hbm>>)
    %scan3A_41 = arith.constant 0 : i32
    %scan3A_42 = arith.constant 25 : i32
    %scan3A_43 = arith.addi %scan3A_41, %scan3A_42 : i32
    %scan3A_44 = arith.constant 1 : i32
    scf.for %scan3A_54 = %scan3A_41 to %scan3A_43 step %scan3A_44  : i32 {
      %mul3A_55 = arith.constant 16 : i32
      %mul3A_56 = arith.muli %scan3A_54, %mul3A_55 : i32
      %add3A_57 = arith.constant 0 : i32
      %add3A_58 = arith.addi %add3A_57, %mul3A_56 : i32
      %iota3A = tpu.iota {dimensions = array<i32: 0>} : vector<16xi32>
      %add3A_59 = vector.broadcast %add3A_58 : i32 to vector<16xi32>
      %add3A_60 = arith.addi %add3A_59, %iota3A : vector<16xi32>
      %broadcast_in_dim3A = arith.constant 0.000000e+00 : f32
      %broadcast_in_dim3A_61 = vector.broadcast %broadcast_in_dim3A : f32 to vector<16xf32>
      %scan3A_62 = arith.constant 0 : i32
      %scan3A_63 = arith.constant 4 : i32
      %scan3A_64 = arith.addi %scan3A_62, %scan3A_63 : i32
      %scan3A_65 = arith.constant 1 : i32
      %scan3A_66:4 = scf.for %scan3A_72 = %scan3A_62 to %scan3A_64 step %scan3A_65 iter_args(%scan3A_73 = %broadcast_in_dim3A_61, %scan3A_74 = %broadcast_in_dim3A_61, %scan3A_75 = %broadcast_in_dim3A_61, %scan3A_76 = %broadcast_in_dim3A_61) -> (vector<16xf32>, vector<16xf32>, vector<16xf32>, vector<16xf32>)  : i32 {
        %mul3A_77 = arith.constant 16 : i32
        %mul3A_78 = arith.muli %scan3A_72, %mul3A_77 : i32
        %add3A_79 = arith.constant 0 : i32
        %add3A_80 = arith.addi %mul3A_78, %add3A_79 : i32
        %add3A_81 = vector.broadcast %add3A_80 : i32 to vector<16xi32>
        %add3A_82 = arith.addi %iota3A, %add3A_81 : vector<16xi32>
        %and3A = arith.constant 63 : i32
        %and3A_83 = vector.broadcast %and3A : i32 to vector<16xi32>
        %and3A_84 = arith.andi %add3A_82, %and3A_83 : vector<16xi32>
        %gather3A = tpu.vector_load_idx %arg9[%add3A_60, %and3A_84] : memref<400x64xi32, #tpu.memory_space<vmem>>[vector<16xi32>, vector<16xi32>], vector<16xi32>,
        %gather3A_85 = tpu.vector_load_idx %arg10[%add3A_60, %and3A_84] : memref<400x64xi32, #tpu.memory_space<vmem>>[vector<16xi32>, vector<16xi32>], vector<16xi32>,
        %shift_left3A = arith.constant 16 : i32
        %shift_left3A_86 = vector.broadcast %shift_left3A : i32 to vector<16xi32>
        %shift_left3A_87 = arith.shli %gather3A, %shift_left3A_86 : vector<16xi32>
        %bitcast3A = vector.bitcast %shift_left3A_87 : vector<16xi32> to vector<16xf32>
        %shift_left3A_88 = arith.constant 16 : i32
        %shift_left3A_89 = vector.broadcast %shift_left3A_88 : i32 to vector<16xi32>
        %shift_left3A_90 = arith.shli %gather3A_85, %shift_left3A_89 : vector<16xi32>
        %bitcast3A_91 = vector.bitcast %shift_left3A_90 : vector<16xi32> to vector<16xf32>
        %bitcast3A_92 = vector.bitcast %gather3A : vector<16xi32> to vector<16xf32>
        %bitcast3A_93 = vector.bitcast %gather3A_85 : vector<16xi32> to vector<16xf32>
        %mul3A_94 = arith.mulf %bitcast3A, %bitcast3A_91 : vector<16xf32>
        %add3A_95 = arith.addf %scan3A_73, %mul3A_94 : vector<16xf32>
        %mul3A_96 = arith.mulf %bitcast3A_92, %bitcast3A_93 : vector<16xf32>
        %add3A_97 = arith.addf %scan3A_74, %mul3A_96 : vector<16xf32>
        %add3A_98 = arith.constant 1 : i32
        %add3A_99 = arith.addi %mul3A_78, %add3A_98 : i32
        %add3A_100 = vector.broadcast %add3A_99 : i32 to vector<16xi32>
        %add3A_101 = arith.addi %iota3A, %add3A_100 : vector<16xi32>
        %and3A_102 = arith.constant 63 : i32
        %and3A_103 = vector.broadcast %and3A_102 : i32 to vector<16xi32>
        %and3A_104 = arith.andi %add3A_101, %and3A_103 : vector<16xi32>
        %gather3A_105 = tpu.vector_load_idx %arg9[%add3A_60, %and3A_104] : memref<400x64xi32, #tpu.memory_space<vmem>>[vector<16xi32>, vector<16xi32>], vector<16xi32>,
        %gather3A_106 = tpu.vector_load_idx %arg10[%add3A_60, %and3A_104] : memref<400x64xi32, #tpu.memory_space<vmem>>[vector<16xi32>, vector<16xi32>], vector<16xi32>,
        %shift_left3A_107 = arith.constant 16 : i32
        %shift_left3A_108 = vector.broadcast %shift_left3A_107 : i32 to vector<16xi32>
        %shift_left3A_109 = arith.shli %gather3A_105, %shift_left3A_108 : vector<16xi32>
        %bitcast3A_110 = vector.bitcast %shift_left3A_109 : vector<16xi32> to vector<16xf32>
        %shift_left3A_111 = arith.constant 16 : i32
        %shift_left3A_112 = vector.broadcast %shift_left3A_111 : i32 to vector<16xi32>
        %shift_left3A_113 = arith.shli %gather3A_106, %shift_left3A_112 : vector<16xi32>
        %bitcast3A_114 = vector.bitcast %shift_left3A_113 : vector<16xi32> to vector<16xf32>
        %bitcast3A_115 = vector.bitcast %gather3A_105 : vector<16xi32> to vector<16xf32>
        %bitcast3A_116 = vector.bitcast %gather3A_106 : vector<16xi32> to vector<16xf32>
        %mul3A_117 = arith.mulf %bitcast3A_110, %bitcast3A_114 : vector<16xf32>
        %add3A_118 = arith.addf %scan3A_75, %mul3A_117 : vector<16xf32>
        %mul3A_119 = arith.mulf %bitcast3A_115, %bitcast3A_116 : vector<16xf32>
        %add3A_120 = arith.addf %scan3A_76, %mul3A_119 : vector<16xf32>
        %add3A_121 = arith.constant 2 : i32
        %add3A_122 = arith.addi %mul3A_78, %add3A_121 : i32
        %add3A_123 = vector.broadcast %add3A_122 : i32 to vector<16xi32>
        %add3A_124 = arith.addi %iota3A, %add3A_123 : vector<16xi32>
        %and3A_125 = arith.constant 63 : i32
        %and3A_126 = vector.broadcast %and3A_125 : i32 to vector<16xi32>
        %and3A_127 = arith.andi %add3A_124, %and3A_126 : vector<16xi32>
        %gather3A_128 = tpu.vector_load_idx %arg9[%add3A_60, %and3A_127] : memref<400x64xi32, #tpu.memory_space<vmem>>[vector<16xi32>, vector<16xi32>], vector<16xi32>,
        %gather3A_129 = tpu.vector_load_idx %arg10[%add3A_60, %and3A_127] : memref<400x64xi32, #tpu.memory_space<vmem>>[vector<16xi32>, vector<16xi32>], vector<16xi32>,
        %shift_left3A_130 = arith.constant 16 : i32
        %shift_left3A_131 = vector.broadcast %shift_left3A_130 : i32 to vector<16xi32>
        %shift_left3A_132 = arith.shli %gather3A_128, %shift_left3A_131 : vector<16xi32>
        %bitcast3A_133 = vector.bitcast %shift_left3A_132 : vector<16xi32> to vector<16xf32>
        %shift_left3A_134 = arith.constant 16 : i32
        %shift_left3A_135 = vector.broadcast %shift_left3A_134 : i32 to vector<16xi32>
        %shift_left3A_136 = arith.shli %gather3A_129, %shift_left3A_135 : vector<16xi32>
        %bitcast3A_137 = vector.bitcast %shift_left3A_136 : vector<16xi32> to vector<16xf32>
        %bitcast3A_138 = vector.bitcast %gather3A_128 : vector<16xi32> to vector<16xf32>
        %bitcast3A_139 = vector.bitcast %gather3A_129 : vector<16xi32> to vector<16xf32>
        %mul3A_140 = arith.mulf %bitcast3A_133, %bitcast3A_137 : vector<16xf32>
        %add3A_141 = arith.addf %add3A_95, %mul3A_140 : vector<16xf32>
        %mul3A_142 = arith.mulf %bitcast3A_138, %bitcast3A_139 : vector<16xf32>
        %add3A_143 = arith.addf %add3A_97, %mul3A_142 : vector<16xf32>
        %add3A_144 = arith.constant 3 : i32
        %add3A_145 = arith.addi %mul3A_78, %add3A_144 : i32
        %add3A_146 = vector.broadcast %add3A_145 : i32 to vector<16xi32>
        %add3A_147 = arith.addi %iota3A, %add3A_146 : vector<16xi32>
        %and3A_148 = arith.constant 63 : i32
        %and3A_149 = vector.broadcast %and3A_148 : i32 to vector<16xi32>
        %and3A_150 = arith.andi %add3A_147, %and3A_149 : vector<16xi32>
        %gather3A_151 = tpu.vector_load_idx %arg9[%add3A_60, %and3A_150] : memref<400x64xi32, #tpu.memory_space<vmem>>[vector<16xi32>, vector<16xi32>], vector<16xi32>,
        %gather3A_152 = tpu.vector_load_idx %arg10[%add3A_60, %and3A_150] : memref<400x64xi32, #tpu.memory_space<vmem>>[vector<16xi32>, vector<16xi32>], vector<16xi32>,
        %shift_left3A_153 = arith.constant 16 : i32
        %shift_left3A_154 = vector.broadcast %shift_left3A_153 : i32 to vector<16xi32>
        %shift_left3A_155 = arith.shli %gather3A_151, %shift_left3A_154 : vector<16xi32>
        %bitcast3A_156 = vector.bitcast %shift_left3A_155 : vector<16xi32> to vector<16xf32>
        %shift_left3A_157 = arith.constant 16 : i32
        %shift_left3A_158 = vector.broadcast %shift_left3A_157 : i32 to vector<16xi32>
        %shift_left3A_159 = arith.shli %gather3A_152, %shift_left3A_158 : vector<16xi32>
        %bitcast3A_160 = vector.bitcast %shift_left3A_159 : vector<16xi32> to vector<16xf32>
        %bitcast3A_161 = vector.bitcast %gather3A_151 : vector<16xi32> to vector<16xf32>
        %bitcast3A_162 = vector.bitcast %gather3A_152 : vector<16xi32> to vector<16xf32>
        %mul3A_163 = arith.mulf %bitcast3A_156, %bitcast3A_160 : vector<16xf32>
        %add3A_164 = arith.addf %add3A_118, %mul3A_163 : vector<16xf32>
        %mul3A_165 = arith.mulf %bitcast3A_161, %bitcast3A_162 : vector<16xf32>
        %add3A_166 = arith.addf %add3A_120, %mul3A_165 : vector<16xf32>
        %add3A_167 = arith.constant 4 : i32
        %add3A_168 = arith.addi %mul3A_78, %add3A_167 : i32
        %add3A_169 = vector.broadcast %add3A_168 : i32 to vector<16xi32>
        %add3A_170 = arith.addi %iota3A, %add3A_169 : vector<16xi32>
        %and3A_171 = arith.constant 63 : i32
        %and3A_172 = vector.broadcast %and3A_171 : i32 to vector<16xi32>
        %and3A_173 = arith.andi %add3A_170, %and3A_172 : vector<16xi32>
        %gather3A_174 = tpu.vector_load_idx %arg9[%add3A_60, %and3A_173] : memref<400x64xi32, #tpu.memory_space<vmem>>[vector<16xi32>, vector<16xi32>], vector<16xi32>,
        %gather3A_175 = tpu.vector_load_idx %arg10[%add3A_60, %and3A_173] : memref<400x64xi32, #tpu.memory_space<vmem>>[vector<16xi32>, vector<16xi32>], vector<16xi32>,
        %shift_left3A_176 = arith.constant 16 : i32
        %shift_left3A_177 = vector.broadcast %shift_left3A_176 : i32 to vector<16xi32>
        %shift_left3A_178 = arith.shli %gather3A_174, %shift_left3A_177 : vector<16xi32>
        %bitcast3A_179 = vector.bitcast %shift_left3A_178 : vector<16xi32> to vector<16xf32>
        %shift_left3A_180 = arith.constant 16 : i32
        %shift_left3A_181 = vector.broadcast %shift_left3A_180 : i32 to vector<16xi32>
        %shift_left3A_182 = arith.shli %gather3A_175, %shift_left3A_181 : vector<16xi32>
        %bitcast3A_183 = vector.bitcast %shift_left3A_182 : vector<16xi32> to vector<16xf32>
        %bitcast3A_184 = vector.bitcast %gather3A_174 : vector<16xi32> to vector<16xf32>
        %bitcast3A_185 = vector.bitcast %gather3A_175 : vector<16xi32> to vector<16xf32>
        %mul3A_186 = arith.mulf %bitcast3A_179, %bitcast3A_183 : vector<16xf32>
        %add3A_187 = arith.addf %add3A_141, %mul3A_186 : vector<16xf32>
        %mul3A_188 = arith.mulf %bitcast3A_184, %bitcast3A_185 : vector<16xf32>
        %add3A_189 = arith.addf %add3A_143, %mul3A_188 : vector<16xf32>
        %add3A_190 = arith.constant 5 : i32
        %add3A_191 = arith.addi %mul3A_78, %add3A_190 : i32
        %add3A_192 = vector.broadcast %add3A_191 : i32 to vector<16xi32>
        %add3A_193 = arith.addi %iota3A, %add3A_192 : vector<16xi32>
        %and3A_194 = arith.constant 63 : i32
        %and3A_195 = vector.broadcast %and3A_194 : i32 to vector<16xi32>
        %and3A_196 = arith.andi %add3A_193, %and3A_195 : vector<16xi32>
        %gather3A_197 = tpu.vector_load_idx %arg9[%add3A_60, %and3A_196] : memref<400x64xi32, #tpu.memory_space<vmem>>[vector<16xi32>, vector<16xi32>], vector<16xi32>,
        %gather3A_198 = tpu.vector_load_idx %arg10[%add3A_60, %and3A_196] : memref<400x64xi32, #tpu.memory_space<vmem>>[vector<16xi32>, vector<16xi32>], vector<16xi32>,
        %shift_left3A_199 = arith.constant 16 : i32
        %shift_left3A_200 = vector.broadcast %shift_left3A_199 : i32 to vector<16xi32>
        %shift_left3A_201 = arith.shli %gather3A_197, %shift_left3A_200 : vector<16xi32>
        %bitcast3A_202 = vector.bitcast %shift_left3A_201 : vector<16xi32> to vector<16xf32>
        %shift_left3A_203 = arith.constant 16 : i32
        %shift_left3A_204 = vector.broadcast %shift_left3A_203 : i32 to vector<16xi32>
        %shift_left3A_205 = arith.shli %gather3A_198, %shift_left3A_204 : vector<16xi32>
        %bitcast3A_206 = vector.bitcast %shift_left3A_205 : vector<16xi32> to vector<16xf32>
        %bitcast3A_207 = vector.bitcast %gather3A_197 : vector<16xi32> to vector<16xf32>
        %bitcast3A_208 = vector.bitcast %gather3A_198 : vector<16xi32> to vector<16xf32>
        %mul3A_209 = arith.mulf %bitcast3A_202, %bitcast3A_206 : vector<16xf32>
        %add3A_210 = arith.addf %add3A_164, %mul3A_209 : vector<16xf32>
        %mul3A_211 = arith.mulf %bitcast3A_207, %bitcast3A_208 : vector<16xf32>
        %add3A_212 = arith.addf %add3A_166, %mul3A_211 : vector<16xf32>
        %add3A_213 = arith.constant 6 : i32
        %add3A_214 = arith.addi %mul3A_78, %add3A_213 : i32
        %add3A_215 = vector.broadcast %add3A_214 : i32 to vector<16xi32>
        %add3A_216 = arith.addi %iota3A, %add3A_215 : vector<16xi32>
        %and3A_217 = arith.constant 63 : i32
        %and3A_218 = vector.broadcast %and3A_217 : i32 to vector<16xi32>
        %and3A_219 = arith.andi %add3A_216, %and3A_218 : vector<16xi32>
        %gather3A_220 = tpu.vector_load_idx %arg9[%add3A_60, %and3A_219] : memref<400x64xi32, #tpu.memory_space<vmem>>[vector<16xi32>, vector<16xi32>], vector<16xi32>,
        %gather3A_221 = tpu.vector_load_idx %arg10[%add3A_60, %and3A_219] : memref<400x64xi32, #tpu.memory_space<vmem>>[vector<16xi32>, vector<16xi32>], vector<16xi32>,
        %shift_left3A_222 = arith.constant 16 : i32
        %shift_left3A_223 = vector.broadcast %shift_left3A_222 : i32 to vector<16xi32>
        %shift_left3A_224 = arith.shli %gather3A_220, %shift_left3A_223 : vector<16xi32>
        %bitcast3A_225 = vector.bitcast %shift_left3A_224 : vector<16xi32> to vector<16xf32>
        %shift_left3A_226 = arith.constant 16 : i32
        %shift_left3A_227 = vector.broadcast %shift_left3A_226 : i32 to vector<16xi32>
        %shift_left3A_228 = arith.shli %gather3A_221, %shift_left3A_227 : vector<16xi32>
        %bitcast3A_229 = vector.bitcast %shift_left3A_228 : vector<16xi32> to vector<16xf32>
        %bitcast3A_230 = vector.bitcast %gather3A_220 : vector<16xi32> to vector<16xf32>
        %bitcast3A_231 = vector.bitcast %gather3A_221 : vector<16xi32> to vector<16xf32>
        %mul3A_232 = arith.mulf %bitcast3A_225, %bitcast3A_229 : vector<16xf32>
        %add3A_233 = arith.addf %add3A_187, %mul3A_232 : vector<16xf32>
        %mul3A_234 = arith.mulf %bitcast3A_230, %bitcast3A_231 : vector<16xf32>
        %add3A_235 = arith.addf %add3A_189, %mul3A_234 : vector<16xf32>
        %add3A_236 = arith.constant 7 : i32
        %add3A_237 = arith.addi %mul3A_78, %add3A_236 : i32
        %add3A_238 = vector.broadcast %add3A_237 : i32 to vector<16xi32>
        %add3A_239 = arith.addi %iota3A, %add3A_238 : vector<16xi32>
        %and3A_240 = arith.constant 63 : i32
        %and3A_241 = vector.broadcast %and3A_240 : i32 to vector<16xi32>
        %and3A_242 = arith.andi %add3A_239, %and3A_241 : vector<16xi32>
        %gather3A_243 = tpu.vector_load_idx %arg9[%add3A_60, %and3A_242] : memref<400x64xi32, #tpu.memory_space<vmem>>[vector<16xi32>, vector<16xi32>], vector<16xi32>,
        %gather3A_244 = tpu.vector_load_idx %arg10[%add3A_60, %and3A_242] : memref<400x64xi32, #tpu.memory_space<vmem>>[vector<16xi32>, vector<16xi32>], vector<16xi32>,
        %shift_left3A_245 = arith.constant 16 : i32
        %shift_left3A_246 = vector.broadcast %shift_left3A_245 : i32 to vector<16xi32>
        %shift_left3A_247 = arith.shli %gather3A_243, %shift_left3A_246 : vector<16xi32>
        %bitcast3A_248 = vector.bitcast %shift_left3A_247 : vector<16xi32> to vector<16xf32>
        %shift_left3A_249 = arith.constant 16 : i32
        %shift_left3A_250 = vector.broadcast %shift_left3A_249 : i32 to vector<16xi32>
        %shift_left3A_251 = arith.shli %gather3A_244, %shift_left3A_250 : vector<16xi32>
        %bitcast3A_252 = vector.bitcast %shift_left3A_251 : vector<16xi32> to vector<16xf32>
        %bitcast3A_253 = vector.bitcast %gather3A_243 : vector<16xi32> to vector<16xf32>
        %bitcast3A_254 = vector.bitcast %gather3A_244 : vector<16xi32> to vector<16xf32>
        %mul3A_255 = arith.mulf %bitcast3A_248, %bitcast3A_252 : vector<16xf32>
        %add3A_256 = arith.addf %add3A_210, %mul3A_255 : vector<16xf32>
        %mul3A_257 = arith.mulf %bitcast3A_253, %bitcast3A_254 : vector<16xf32>
        %add3A_258 = arith.addf %add3A_212, %mul3A_257 : vector<16xf32>
        %add3A_259 = arith.constant 8 : i32
        %add3A_260 = arith.addi %mul3A_78, %add3A_259 : i32
        %add3A_261 = vector.broadcast %add3A_260 : i32 to vector<16xi32>
        %add3A_262 = arith.addi %iota3A, %add3A_261 : vector<16xi32>
        %and3A_263 = arith.constant 63 : i32
        %and3A_264 = vector.broadcast %and3A_263 : i32 to vector<16xi32>
        %and3A_265 = arith.andi %add3A_262, %and3A_264 : vector<16xi32>
        %gather3A_266 = tpu.vector_load_idx %arg9[%add3A_60, %and3A_265] : memref<400x64xi32, #tpu.memory_space<vmem>>[vector<16xi32>, vector<16xi32>], vector<16xi32>,
        %gather3A_267 = tpu.vector_load_idx %arg10[%add3A_60, %and3A_265] : memref<400x64xi32, #tpu.memory_space<vmem>>[vector<16xi32>, vector<16xi32>], vector<16xi32>,
        %shift_left3A_268 = arith.constant 16 : i32
        %shift_left3A_269 = vector.broadcast %shift_left3A_268 : i32 to vector<16xi32>
        %shift_left3A_270 = arith.shli %gather3A_266, %shift_left3A_269 : vector<16xi32>
        %bitcast3A_271 = vector.bitcast %shift_left3A_270 : vector<16xi32> to vector<16xf32>
        %shift_left3A_272 = arith.constant 16 : i32
        %shift_left3A_273 = vector.broadcast %shift_left3A_272 : i32 to vector<16xi32>
        %shift_left3A_274 = arith.shli %gather3A_267, %shift_left3A_273 : vector<16xi32>
        %bitcast3A_275 = vector.bitcast %shift_left3A_274 : vector<16xi32> to vector<16xf32>
        %bitcast3A_276 = vector.bitcast %gather3A_266 : vector<16xi32> to vector<16xf32>
        %bitcast3A_277 = vector.bitcast %gather3A_267 : vector<16xi32> to vector<16xf32>
        %mul3A_278 = arith.mulf %bitcast3A_271, %bitcast3A_275 : vector<16xf32>
        %add3A_279 = arith.addf %add3A_233, %mul3A_278 : vector<16xf32>
        %mul3A_280 = arith.mulf %bitcast3A_276, %bitcast3A_277 : vector<16xf32>
        %add3A_281 = arith.addf %add3A_235, %mul3A_280 : vector<16xf32>
        %add3A_282 = arith.constant 9 : i32
        %add3A_283 = arith.addi %mul3A_78, %add3A_282 : i32
        %add3A_284 = vector.broadcast %add3A_283 : i32 to vector<16xi32>
        %add3A_285 = arith.addi %iota3A, %add3A_284 : vector<16xi32>
        %and3A_286 = arith.constant 63 : i32
        %and3A_287 = vector.broadcast %and3A_286 : i32 to vector<16xi32>
        %and3A_288 = arith.andi %add3A_285, %and3A_287 : vector<16xi32>
        %gather3A_289 = tpu.vector_load_idx %arg9[%add3A_60, %and3A_288] : memref<400x64xi32, #tpu.memory_space<vmem>>[vector<16xi32>, vector<16xi32>], vector<16xi32>,
        %gather3A_290 = tpu.vector_load_idx %arg10[%add3A_60, %and3A_288] : memref<400x64xi32, #tpu.memory_space<vmem>>[vector<16xi32>, vector<16xi32>], vector<16xi32>,
        %shift_left3A_291 = arith.constant 16 : i32
        %shift_left3A_292 = vector.broadcast %shift_left3A_291 : i32 to vector<16xi32>
        %shift_left3A_293 = arith.shli %gather3A_289, %shift_left3A_292 : vector<16xi32>
        %bitcast3A_294 = vector.bitcast %shift_left3A_293 : vector<16xi32> to vector<16xf32>
        %shift_left3A_295 = arith.constant 16 : i32
        %shift_left3A_296 = vector.broadcast %shift_left3A_295 : i32 to vector<16xi32>
        %shift_left3A_297 = arith.shli %gather3A_290, %shift_left3A_296 : vector<16xi32>
        %bitcast3A_298 = vector.bitcast %shift_left3A_297 : vector<16xi32> to vector<16xf32>
        %bitcast3A_299 = vector.bitcast %gather3A_289 : vector<16xi32> to vector<16xf32>
        %bitcast3A_300 = vector.bitcast %gather3A_290 : vector<16xi32> to vector<16xf32>
        %mul3A_301 = arith.mulf %bitcast3A_294, %bitcast3A_298 : vector<16xf32>
        %add3A_302 = arith.addf %add3A_256, %mul3A_301 : vector<16xf32>
        %mul3A_303 = arith.mulf %bitcast3A_299, %bitcast3A_300 : vector<16xf32>
        %add3A_304 = arith.addf %add3A_258, %mul3A_303 : vector<16xf32>
        %add3A_305 = arith.constant 10 : i32
        %add3A_306 = arith.addi %mul3A_78, %add3A_305 : i32
        %add3A_307 = vector.broadcast %add3A_306 : i32 to vector<16xi32>
        %add3A_308 = arith.addi %iota3A, %add3A_307 : vector<16xi32>
        %and3A_309 = arith.constant 63 : i32
        %and3A_310 = vector.broadcast %and3A_309 : i32 to vector<16xi32>
        %and3A_311 = arith.andi %add3A_308, %and3A_310 : vector<16xi32>
        %gather3A_312 = tpu.vector_load_idx %arg9[%add3A_60, %and3A_311] : memref<400x64xi32, #tpu.memory_space<vmem>>[vector<16xi32>, vector<16xi32>], vector<16xi32>,
        %gather3A_313 = tpu.vector_load_idx %arg10[%add3A_60, %and3A_311] : memref<400x64xi32, #tpu.memory_space<vmem>>[vector<16xi32>, vector<16xi32>], vector<16xi32>,
        %shift_left3A_314 = arith.constant 16 : i32
        %shift_left3A_315 = vector.broadcast %shift_left3A_314 : i32 to vector<16xi32>
        %shift_left3A_316 = arith.shli %gather3A_312, %shift_left3A_315 : vector<16xi32>
        %bitcast3A_317 = vector.bitcast %shift_left3A_316 : vector<16xi32> to vector<16xf32>
        %shift_left3A_318 = arith.constant 16 : i32
        %shift_left3A_319 = vector.broadcast %shift_left3A_318 : i32 to vector<16xi32>
        %shift_left3A_320 = arith.shli %gather3A_313, %shift_left3A_319 : vector<16xi32>
        %bitcast3A_321 = vector.bitcast %shift_left3A_320 : vector<16xi32> to vector<16xf32>
        %bitcast3A_322 = vector.bitcast %gather3A_312 : vector<16xi32> to vector<16xf32>
        %bitcast3A_323 = vector.bitcast %gather3A_313 : vector<16xi32> to vector<16xf32>
        %mul3A_324 = arith.mulf %bitcast3A_317, %bitcast3A_321 : vector<16xf32>
        %add3A_325 = arith.addf %add3A_279, %mul3A_324 : vector<16xf32>
        %mul3A_326 = arith.mulf %bitcast3A_322, %bitcast3A_323 : vector<16xf32>
        %add3A_327 = arith.addf %add3A_281, %mul3A_326 : vector<16xf32>
        %add3A_328 = arith.constant 11 : i32
        %add3A_329 = arith.addi %mul3A_78, %add3A_328 : i32
        %add3A_330 = vector.broadcast %add3A_329 : i32 to vector<16xi32>
        %add3A_331 = arith.addi %iota3A, %add3A_330 : vector<16xi32>
        %and3A_332 = arith.constant 63 : i32
        %and3A_333 = vector.broadcast %and3A_332 : i32 to vector<16xi32>
        %and3A_334 = arith.andi %add3A_331, %and3A_333 : vector<16xi32>
        %gather3A_335 = tpu.vector_load_idx %arg9[%add3A_60, %and3A_334] : memref<400x64xi32, #tpu.memory_space<vmem>>[vector<16xi32>, vector<16xi32>], vector<16xi32>,
        %gather3A_336 = tpu.vector_load_idx %arg10[%add3A_60, %and3A_334] : memref<400x64xi32, #tpu.memory_space<vmem>>[vector<16xi32>, vector<16xi32>], vector<16xi32>,
        %shift_left3A_337 = arith.constant 16 : i32
        %shift_left3A_338 = vector.broadcast %shift_left3A_337 : i32 to vector<16xi32>
        %shift_left3A_339 = arith.shli %gather3A_335, %shift_left3A_338 : vector<16xi32>
        %bitcast3A_340 = vector.bitcast %shift_left3A_339 : vector<16xi32> to vector<16xf32>
        %shift_left3A_341 = arith.constant 16 : i32
        %shift_left3A_342 = vector.broadcast %shift_left3A_341 : i32 to vector<16xi32>
        %shift_left3A_343 = arith.shli %gather3A_336, %shift_left3A_342 : vector<16xi32>
        %bitcast3A_344 = vector.bitcast %shift_left3A_343 : vector<16xi32> to vector<16xf32>
        %bitcast3A_345 = vector.bitcast %gather3A_335 : vector<16xi32> to vector<16xf32>
        %bitcast3A_346 = vector.bitcast %gather3A_336 : vector<16xi32> to vector<16xf32>
        %mul3A_347 = arith.mulf %bitcast3A_340, %bitcast3A_344 : vector<16xf32>
        %add3A_348 = arith.addf %add3A_302, %mul3A_347 : vector<16xf32>
        %mul3A_349 = arith.mulf %bitcast3A_345, %bitcast3A_346 : vector<16xf32>
        %add3A_350 = arith.addf %add3A_304, %mul3A_349 : vector<16xf32>
        %add3A_351 = arith.constant 12 : i32
        %add3A_352 = arith.addi %mul3A_78, %add3A_351 : i32
        %add3A_353 = vector.broadcast %add3A_352 : i32 to vector<16xi32>
        %add3A_354 = arith.addi %iota3A, %add3A_353 : vector<16xi32>
        %and3A_355 = arith.constant 63 : i32
        %and3A_356 = vector.broadcast %and3A_355 : i32 to vector<16xi32>
        %and3A_357 = arith.andi %add3A_354, %and3A_356 : vector<16xi32>
        %gather3A_358 = tpu.vector_load_idx %arg9[%add3A_60, %and3A_357] : memref<400x64xi32, #tpu.memory_space<vmem>>[vector<16xi32>, vector<16xi32>], vector<16xi32>,
        %gather3A_359 = tpu.vector_load_idx %arg10[%add3A_60, %and3A_357] : memref<400x64xi32, #tpu.memory_space<vmem>>[vector<16xi32>, vector<16xi32>], vector<16xi32>,
        %shift_left3A_360 = arith.constant 16 : i32
        %shift_left3A_361 = vector.broadcast %shift_left3A_360 : i32 to vector<16xi32>
        %shift_left3A_362 = arith.shli %gather3A_358, %shift_left3A_361 : vector<16xi32>
        %bitcast3A_363 = vector.bitcast %shift_left3A_362 : vector<16xi32> to vector<16xf32>
        %shift_left3A_364 = arith.constant 16 : i32
        %shift_left3A_365 = vector.broadcast %shift_left3A_364 : i32 to vector<16xi32>
        %shift_left3A_366 = arith.shli %gather3A_359, %shift_left3A_365 : vector<16xi32>
        %bitcast3A_367 = vector.bitcast %shift_left3A_366 : vector<16xi32> to vector<16xf32>
        %bitcast3A_368 = vector.bitcast %gather3A_358 : vector<16xi32> to vector<16xf32>
        %bitcast3A_369 = vector.bitcast %gather3A_359 : vector<16xi32> to vector<16xf32>
        %mul3A_370 = arith.mulf %bitcast3A_363, %bitcast3A_367 : vector<16xf32>
        %add3A_371 = arith.addf %add3A_325, %mul3A_370 : vector<16xf32>
        %mul3A_372 = arith.mulf %bitcast3A_368, %bitcast3A_369 : vector<16xf32>
        %add3A_373 = arith.addf %add3A_327, %mul3A_372 : vector<16xf32>
        %add3A_374 = arith.constant 13 : i32
        %add3A_375 = arith.addi %mul3A_78, %add3A_374 : i32
        %add3A_376 = vector.broadcast %add3A_375 : i32 to vector<16xi32>
        %add3A_377 = arith.addi %iota3A, %add3A_376 : vector<16xi32>
        %and3A_378 = arith.constant 63 : i32
        %and3A_379 = vector.broadcast %and3A_378 : i32 to vector<16xi32>
        %and3A_380 = arith.andi %add3A_377, %and3A_379 : vector<16xi32>
        %gather3A_381 = tpu.vector_load_idx %arg9[%add3A_60, %and3A_380] : memref<400x64xi32, #tpu.memory_space<vmem>>[vector<16xi32>, vector<16xi32>], vector<16xi32>,
        %gather3A_382 = tpu.vector_load_idx %arg10[%add3A_60, %and3A_380] : memref<400x64xi32, #tpu.memory_space<vmem>>[vector<16xi32>, vector<16xi32>], vector<16xi32>,
        %shift_left3A_383 = arith.constant 16 : i32
        %shift_left3A_384 = vector.broadcast %shift_left3A_383 : i32 to vector<16xi32>
        %shift_left3A_385 = arith.shli %gather3A_381, %shift_left3A_384 : vector<16xi32>
        %bitcast3A_386 = vector.bitcast %shift_left3A_385 : vector<16xi32> to vector<16xf32>
        %shift_left3A_387 = arith.constant 16 : i32
        %shift_left3A_388 = vector.broadcast %shift_left3A_387 : i32 to vector<16xi32>
        %shift_left3A_389 = arith.shli %gather3A_382, %shift_left3A_388 : vector<16xi32>
        %bitcast3A_390 = vector.bitcast %shift_left3A_389 : vector<16xi32> to vector<16xf32>
        %bitcast3A_391 = vector.bitcast %gather3A_381 : vector<16xi32> to vector<16xf32>
        %bitcast3A_392 = vector.bitcast %gather3A_382 : vector<16xi32> to vector<16xf32>
        %mul3A_393 = arith.mulf %bitcast3A_386, %bitcast3A_390 : vector<16xf32>
        %add3A_394 = arith.addf %add3A_348, %mul3A_393 : vector<16xf32>
        %mul3A_395 = arith.mulf %bitcast3A_391, %bitcast3A_392 : vector<16xf32>
        %add3A_396 = arith.addf %add3A_350, %mul3A_395 : vector<16xf32>
        %add3A_397 = arith.constant 14 : i32
        %add3A_398 = arith.addi %mul3A_78, %add3A_397 : i32
        %add3A_399 = vector.broadcast %add3A_398 : i32 to vector<16xi32>
        %add3A_400 = arith.addi %iota3A, %add3A_399 : vector<16xi32>
        %and3A_401 = arith.constant 63 : i32
        %and3A_402 = vector.broadcast %and3A_401 : i32 to vector<16xi32>
        %and3A_403 = arith.andi %add3A_400, %and3A_402 : vector<16xi32>
        %gather3A_404 = tpu.vector_load_idx %arg9[%add3A_60, %and3A_403] : memref<400x64xi32, #tpu.memory_space<vmem>>[vector<16xi32>, vector<16xi32>], vector<16xi32>,
        %gather3A_405 = tpu.vector_load_idx %arg10[%add3A_60, %and3A_403] : memref<400x64xi32, #tpu.memory_space<vmem>>[vector<16xi32>, vector<16xi32>], vector<16xi32>,
        %shift_left3A_406 = arith.constant 16 : i32
        %shift_left3A_407 = vector.broadcast %shift_left3A_406 : i32 to vector<16xi32>
        %shift_left3A_408 = arith.shli %gather3A_404, %shift_left3A_407 : vector<16xi32>
        %bitcast3A_409 = vector.bitcast %shift_left3A_408 : vector<16xi32> to vector<16xf32>
        %shift_left3A_410 = arith.constant 16 : i32
        %shift_left3A_411 = vector.broadcast %shift_left3A_410 : i32 to vector<16xi32>
        %shift_left3A_412 = arith.shli %gather3A_405, %shift_left3A_411 : vector<16xi32>
        %bitcast3A_413 = vector.bitcast %shift_left3A_412 : vector<16xi32> to vector<16xf32>
        %bitcast3A_414 = vector.bitcast %gather3A_404 : vector<16xi32> to vector<16xf32>
        %bitcast3A_415 = vector.bitcast %gather3A_405 : vector<16xi32> to vector<16xf32>
        %mul3A_416 = arith.mulf %bitcast3A_409, %bitcast3A_413 : vector<16xf32>
        %add3A_417 = arith.addf %add3A_371, %mul3A_416 : vector<16xf32>
        %mul3A_418 = arith.mulf %bitcast3A_414, %bitcast3A_415 : vector<16xf32>
        %add3A_419 = arith.addf %add3A_373, %mul3A_418 : vector<16xf32>
        %add3A_420 = arith.constant 15 : i32
        %add3A_421 = arith.addi %mul3A_78, %add3A_420 : i32
        %add3A_422 = vector.broadcast %add3A_421 : i32 to vector<16xi32>
        %add3A_423 = arith.addi %iota3A, %add3A_422 : vector<16xi32>
        %and3A_424 = arith.constant 63 : i32
        %and3A_425 = vector.broadcast %and3A_424 : i32 to vector<16xi32>
        %and3A_426 = arith.andi %add3A_423, %and3A_425 : vector<16xi32>
        %gather3A_427 = tpu.vector_load_idx %arg9[%add3A_60, %and3A_426] : memref<400x64xi32, #tpu.memory_space<vmem>>[vector<16xi32>, vector<16xi32>], vector<16xi32>,
        %gather3A_428 = tpu.vector_load_idx %arg10[%add3A_60, %and3A_426] : memref<400x64xi32, #tpu.memory_space<vmem>>[vector<16xi32>, vector<16xi32>], vector<16xi32>,
        %shift_left3A_429 = arith.constant 16 : i32
        %shift_left3A_430 = vector.broadcast %shift_left3A_429 : i32 to vector<16xi32>
        %shift_left3A_431 = arith.shli %gather3A_427, %shift_left3A_430 : vector<16xi32>
        %bitcast3A_432 = vector.bitcast %shift_left3A_431 : vector<16xi32> to vector<16xf32>
        %shift_left3A_433 = arith.constant 16 : i32
        %shift_left3A_434 = vector.broadcast %shift_left3A_433 : i32 to vector<16xi32>
        %shift_left3A_435 = arith.shli %gather3A_428, %shift_left3A_434 : vector<16xi32>
        %bitcast3A_436 = vector.bitcast %shift_left3A_435 : vector<16xi32> to vector<16xf32>
        %bitcast3A_437 = vector.bitcast %gather3A_427 : vector<16xi32> to vector<16xf32>
        %bitcast3A_438 = vector.bitcast %gather3A_428 : vector<16xi32> to vector<16xf32>
        %mul3A_439 = arith.mulf %bitcast3A_432, %bitcast3A_436 : vector<16xf32>
        %add3A_440 = arith.addf %add3A_394, %mul3A_439 : vector<16xf32>
        %mul3A_441 = arith.mulf %bitcast3A_437, %bitcast3A_438 : vector<16xf32>
        %add3A_442 = arith.addf %add3A_396, %mul3A_441 : vector<16xf32>
        scf.yield %add3A_417, %add3A_419, %add3A_440, %add3A_442 : vector<16xf32>, vector<16xf32>, vector<16xf32>, vector<16xf32>
      }
      %scan3A_67 = arith.constant 4 : i32
      %add3A_68 = arith.addf %scan3A_66#0, %scan3A_66#1 : vector<16xf32>
      %add3A_69 = arith.addf %scan3A_66#2, %scan3A_66#3 : vector<16xf32>
      %add3A_70 = arith.addf %add3A_68, %add3A_69 : vector<16xf32>
      %swap3A = arith.index_cast %add3A_58 : i32 to index
      %swap3A_71 = tpu.vector_load %arg13[%swap3A] {strides = array<i32>} : memref<400xf32, #tpu.memory_space<vmem>>, vector<16xf32>,
      tpu.vector_store %arg13[%swap3A], %add3A_70 {strides = array<i32>} : memref<400xf32, #tpu.memory_space<vmem>>, vector<16xf32>,
    }
    %scan3A_45 = arith.constant 25 : i32
    %add3A_46 = arith.constant 9600 : i32
    %add3A_47 = arith.addi %mul3A_2, %add3A_46 : i32
    %dma_start3A_48 = tpu.memref_slice %arg6[%add3A_47] : memref<320000xf32, #tpu.memory_space<hbm>> -> memref<400xf32, #tpu.memory_space<hbm>>
    %dma_start3A_49 = tpu.memref_slice %arg6[%add3A_47] : memref<320000xf32, #tpu.memory_space<hbm>> -> memref<400xf32, #tpu.memory_space<hbm>>
    tpu.enqueue_dma source(%arg13 : memref<400xf32, #tpu.memory_space<vmem>>) target(%dma_start3A_49 : memref<400xf32, #tpu.memory_space<hbm>>) target_semaphore(%arg20 : memref<!tpu.dma_semaphore, #tpu.memory_space<semaphore_mem>>)
    %dma_wait3A_50 = tpu.memref_slice %arg6[%mul3A_2] : memref<320000xf32, #tpu.memory_space<hbm>> -> memref<400xf32, #tpu.memory_space<hbm>>
    %dma_wait3A_51 = tpu.memref_slice %arg6[%mul3A_2] : memref<320000xf32, #tpu.memory_space<hbm>> -> memref<400xf32, #tpu.memory_space<hbm>>
    tpu.wait_dma2 semaphore(%arg20 : memref<!tpu.dma_semaphore, #tpu.memory_space<semaphore_mem>>) src(%arg13 : memref<400xf32, #tpu.memory_space<vmem>>) dst(%dma_wait3A_51 : memref<400xf32, #tpu.memory_space<hbm>>)
    %dma_wait3A_52 = tpu.memref_slice %arg6[%mul3A_2] : memref<320000xf32, #tpu.memory_space<hbm>> -> memref<400xf32, #tpu.memory_space<hbm>>
    %dma_wait3A_53 = tpu.memref_slice %arg6[%mul3A_2] : memref<320000xf32, #tpu.memory_space<hbm>> -> memref<400xf32, #tpu.memory_space<hbm>>
    tpu.wait_dma2 semaphore(%arg21 : memref<!tpu.dma_semaphore, #tpu.memory_space<semaphore_mem>>) src(%arg14 : memref<400xf32, #tpu.memory_space<vmem>>) dst(%dma_wait3A_53 : memref<400xf32, #tpu.memory_space<hbm>>)
    return
  }
}

</mosaic_0001>

<sc_bundles>
// kernel: kernel.3.cloned.1.call-start
scs
__scs_entry_jumppad:
0x0: {  	(pc) =	sbr.rel $0x88, $3  }
0x1: {  	(tag) =	ssettag $0x0;
	lr =	simm.s32 $0x1  }
0x2: {  	[smem:$0x3F9E] =	sst lr;
	_ =	strace $0xD0000000  }
0x3: {  	_ = 	snop  }
0x4: {  	_ = 	snop  }
0x5: {  	_ = 	snop  }
0x6: {  	_ = 	snop  }
0x7: {  	_ = 	snop  }
__scs_overlays_trampoline_lowered:
0x8: {  	[smem:$0x3FAD] =	sst s0  }
0x9: {  	[smem:$0x3FAE] =	sst s1  }
0xa: {  	[smem:$0x3FAF] =	sst s2  }
0xb: {  	[smem:$0x3FB0] =	sst s3  }
0xc: {  	[smem:$0x3FB1] =	sst s4  }
0xd: {  	[smem:$0x3FB2] =	sst s5  }
0xe: {  	[smem:$0x3FB3] =	sst s6  }
0xf: {  	[smem:$0x3FB4] =	sst s7  }
0x10: {  	[smem:$0x3FB5] =	sst s8  }
0x11: {  	[smem:$0x3FB6] =	sst s9;
	s0 =	simm.s32 @!p0 $0x0  }
0x12: {  	s1 =	sld [smem:$0x3F9C];
	s0 =	simm.s32 @p0 $0x1  }
0x13: {  	[smem:$0x3FB7] =	sst s0;
	s0 =	simm.s32 @!p1 $0x0  }
0x14: {  	s2 =	sld [smem:$0x3F9B];
	s0 =	simm.s32 @p1 $0x1  }
0x15: {  	[smem:$0x3FB8] =	sst s0;
	s0 =	simm.s32 @!p2 $0x0  }
0x16: {  	s3 =	sld [smem:$0x3FDB];
	s0 =	simm.s32 @p2 $0x1  }
0x17: {  	s4 =	simm.s32 $0x1BF5;
	[smem:$0x3FBA] =	sst s0  }
0x18: {  	s0 =	sld [smem:$0x3F9D];
	_ =	swait.ge [sflag:s4], $0x0  }
0x19: {  	s7 =	sld [smem:$0x3F9E]  }
0x1a: {  	s8 =	sadd.s32 $0xFFFFE003, lr  }
0x1b: {  	s9 =	sadd.s32 $0xFFFFFEF7, lr;
	s5 =	simm.s32 $0xFFFFFFFF;
	p2 =	slt.u32 s8, $0xFFFFF086  }
0x1c: {  	p1 =	slt.u32 s9, $0xF7A;
	s5 =	simm.s32 @!p2 $0x0  }
0x1d: {  	s5 =	simm.s32 @p1 $0x1;
	p0 =	seq.s32 s7, s2  }
0x1e: {  	s7 =	smul.u32 @!p0 $0xF7A, s2;
	p2 =	seq.s32 @!p0 s5, $0x0  }
0x1f: {  	s9 =	smul.u32 $0xF7A, s1;
	s8 =	simm.s32 @!p0 $0x1BF5;
	p2 =	por !p2, p0  }
0x20: {  	[sflag:s8] =	ssyncset.s32 @!p0 $0xFFFFF086;
	s6 =	sadd.s32 @!p0 s3, s7;
	s7 =	simm.s32 @!p0 $0x108  }
0x21: {  	s3 =	sadd.s32 s3, s9;
	s6 =	sadd.s32 @!p0 $0x88, s6;
	s7 =	simm.s32 @p2 $0x1082  }
0x22: {  	[simem:s7], [sflag:s8] =	dma.local @!p0 [hbm:s6], $0xF7A  }
0x23: {  	s9 =	sor.u32 $0xD0000000, s2;
	s6 =	simm.s32 $0x108;
	_ =	swait.ge @!p0 [sflag:s8], $0x0  }
0x24: {  	s3 =	sadd.s32 $0x88, s3;
	s6 =	simm.s32 @!p1 $0x1082;
	[sflag:s4] =	ssyncset.s32 $0xFFFFF086  }
0x25: {  	[simem:s6], [sflag:s4] =	dma.local [hbm:s3], $0xF7A  }
0x26: {  	[smem:$0x3F9E] =	sst s1;
	(tag) =	ssettag s2;
	_ =	strace s9  }
0x27: {  	s1 =	sld [smem:$0x3FAE]  }
0x28: {  	s2 =	sld [smem:$0x3FAF]  }
0x29: {  	s4 =	sld [smem:$0x3FB1]  }
0x2a: {  	p0 =	seq.s32 s5, $0x0;
	s5 =	sld [smem:$0x3FB2]  }
0x2b: {  	s6 =	sld [smem:$0x3FB3]  }
0x2c: {  	s7 =	sld [smem:$0x3FB4]  }
0x2d: {  	s3 =	simm.s32 $0x108;
	s8 =	sld [smem:$0x3FB5]  }
0x2e: {  	s3 =	simm.s32 @!p0 $0x1082;
	s9 =	sld [smem:$0x3FB6]  }
0x2f: {  	lr =	sadd.s32 s0, s3;
	s0 =	sld [smem:$0x3FAD]  }
0x30: {  	s3 =	sld [smem:$0x3FB0]  }
0x31: {  	[smem:$0x3FB9] =	sst s10  }
0x32: {  	s10 =	sld [smem:$0x3FB7];
	_ =	sdelay $0x3  }
0x33: {  	p0 =	seq.s32 s10, $0x1;
	s10 =	sld [smem:$0x3FB9];
	_ =	sdelay $0x3  }
0x34: {  	[smem:$0x3FB9] =	sst s10  }
0x35: {  	s10 =	sld [smem:$0x3FB8];
	_ =	sdelay $0x3  }
0x36: {  	p1 =	seq.s32 s10, $0x1;
	s10 =	sld [smem:$0x3FB9];
	_ =	sdelay $0x3  }
0x37: {  	[smem:$0x3FB9] =	sst s10  }
0x38: {  	s10 =	sld [smem:$0x3FBA]  }
0x39: {  	_ = 	snop;
	(pc) =	sbr.ind lr, $3  }
0x3a: {  	_ = 	snop  }
0x3b: {  	_ = 	snop  }
0x3c: {  	p2 =	seq.s32 s10, $0x1;
	s10 =	sld [smem:$0x3FB9]  }
0x3d: {  	_ =	shalt  }
0x3e: {  	_ =	shalt  }
0x3f: {  	_ =	shalt  }
0x40: {  	_ =	shalt  }
0x41: {  	_ =	shalt  }
0x42: {  	_ =	shalt  }
0x43: {  	_ =	shalt  }
0x44: {  	_ =	shalt  }
0x45: {  	_ =	shalt  }
0x46: {  	_ =	shalt  }
0x47: {  	_ =	shalt  }
0x48: {  	_ =	shalt  }
0x49: {  	_ =	shalt  }
0x4a: {  	_ =	shalt  }
0x4b: {  	_ =	shalt  }
0x4c: {  	_ =	shalt  }
0x4d: {  	_ =	shalt  }
0x4e: {  	_ =	shalt  }
0x4f: {  	_ =	shalt  }
0x50: {  	_ =	shalt  }
0x51: {  	_ =	shalt  }
0x52: {  	_ =	shalt  }
0x53: {  	_ =	shalt  }
0x54: {  	_ =	shalt  }
0x55: {  	_ =	shalt  }
0x56: {  	_ =	shalt  }
0x57: {  	_ =	shalt  }
0x58: {  	_ =	shalt  }
0x59: {  	_ =	shalt  }
0x5a: {  	_ =	shalt  }
0x5b: {  	_ =	shalt  }
0x5c: {  	_ =	shalt  }
0x5d: {  	_ =	shalt  }
0x5e: {  	_ =	shalt  }
0x5f: {  	_ =	shalt  }
0x60: {  	_ =	shalt  }
0x61: {  	_ =	shalt  }
0x62: {  	_ =	shalt  }
0x63: {  	_ =	shalt  }
0x64: {  	_ =	shalt  }
0x65: {  	_ =	shalt  }
0x66: {  	_ =	shalt  }
0x67: {  	_ =	shalt  }
0x68: {  	_ =	shalt  }
0x69: {  	_ =	shalt  }
0x6a: {  	_ =	shalt  }
0x6b: {  	_ =	shalt  }
0x6c: {  	_ =	shalt  }
0x6d: {  	_ =	shalt  }
0x6e: {  	_ =	shalt  }
0x6f: {  	_ =	shalt  }
0x70: {  	_ =	shalt  }
0x71: {  	_ =	shalt  }
0x72: {  	_ =	shalt  }
0x73: {  	_ =	shalt  }
0x74: {  	_ =	shalt  }
0x75: {  	_ =	shalt  }
0x76: {  	_ =	shalt  }
0x77: {  	_ =	shalt  }
0x78: {  	_ =	shalt  }
0x79: {  	_ =	shalt  }
0x7a: {  	_ =	shalt  }
0x7b: {  	_ =	shalt  }
0x7c: {  	_ =	shalt  }
0x7d: {  	_ =	shalt  }
0x7e: {  	_ =	shalt  }
0x7f: {  	_ =	shalt  }
0x80: {  	_ =	shalt  }
0x81: {  	_ =	shalt  }
0x82: {  	_ =	shalt  }
0x83: {  	_ =	shalt  }
0x84: {  	_ =	shalt  }
0x85: {  	_ =	shalt  }
0x86: {  	_ =	shalt  }
0x87: {  	_ =	shalt  }
.Lfunc_end0:
.L_simem_size_0:
called_computation_lowered:
.L_overlay_start_0:
0x88: {  	s2 =	sld [smem:$0x3FD9]  }
0x89: {  	s3 =	sld [smem:$0x3FFE];
	_ =	sdelay $0x1  }
0x8a: {  	s1 =	srdreg.scid  }
0x8b: {  	s0 =	sand.u32 $0x1, s1  }
0x8c: {  	s16 =	sshll.u32 s0, $0xA;
	s2 =	sadd.s32 s3, s2  }
0x8d: {  	s2 =	sadd.s32 s2, s16  }
0x8e: {  	[smem:$0x3FC5] =	sst s2  }
0x8f: {  	_ = 	snop  }
0x90: {  	(tm) =	ssettm $0x1  }
0x91: {  	s17 =	sld [smem:$0x3FFB];
	_ =	sdelay $0x3  }
0x92: {  	_ =	strace s17  }
0x93: {  	s2 =	sld [smem:$0x3FFC];
	_ =	sdelay $0x3  }
0x94: {  	_ =	strace s2  }
0x95: {  	s2 =	sld [smem:$0x3FFD];
	_ =	sdelay $0x3  }
0x96: {  	_ =	strace s2  }
0x97: {  	_ =	strace $0x8FFFFFFF  }
0x98: {  	s18 =	sld [smem:$0x3FDB];
	_ =	sdelay $0x1  }
0x99: {  	s19 =	simm.s32 $_scs_section_size  }
0x9a: {  	s4 =	simm.s32 $_size__tile_overlayer_lowered;
	s5 =	simm.s32 $_tile_overlayer_lowered  }
0x9b: {  	s22 =	simm.s32 $0x1BFF;
	s21 =	sshll.u32 s5, $0x1;
	s2 =	sadd.s32 s19, s18  }
0x9c: {  	s6 =	simm.s32 $0x0;
	s20 =	sshll.u32 s4, $0x1;
	s4 =	sadd.s32 s21, s2  }
0x9d: {  	[timem:s6], [sflag:s22] =	dma.local [hbm:s4], s20  }
0x9e: {  	_ =	swait.ge [sflag:s22], s20  }
0x9f: {  	s3 =	ssub.s32 $0x0, s20;
	[sflag:s22] =	ssyncset.done $0x0  }
0xa0: {  	[sflag:s22] =	ssyncadd.s32 s3;
	_ =	sdelay $0x1  }
0xa1: {  	s23 =	simm.s32 $0x1B8B  }
0xa2: {  	_ =	swait.ge [sflag:s23], $0x1  }
0xa3: {  	[sflag:s23] =	ssyncset.done $0x0  }
0xa4: {  	s25 =	simm.s32 $0x1B8E;
	s24 =	sld [smem:$0x3FFE];
	[sflag:s23] =	ssyncadd.s32 $0xFFFFFFFF  }
0xa5: {  	s26 =	simm.s32 $execute0_lowered;
	[smem:$0x3FD2] =	sst s25  }
0xa6: {  	s4 =	sshll.u32 s26, $0x1;
	_ =	strace $0x80000046;
	[dreg:$0x1] =	wrdreg $0xFFFFFFFF  }
0xa7: {  	s28 =	simm.s32 $_size_execute0_lowered;
	s2 =	sadd.s32 s2, s4;
	[dreg:$0x0] =	wrdreg $0x0  }
0xa8: {  	s4 =	sshll.u32 s28, $0x1;
	[dreg:$0x2] =	wrdreg s2  }
0xa9: {  	[dreg:$0x3] =	wrdreg s4  }
0xaa: {  	[dreg:$0x4] =	wrdreg $0xC0  }
0xab: {  	_ =	task [dreg:s6], $0x5FFFF  }
0xac: {  	[dreg:$0x1] =	wrdreg $0xFFFFFFFF  }
0xad: {  	[dreg:$0x0] =	wrdreg $0x60  }
0xae: {  	[dreg:$0x2] =	wrdreg s24  }
0xaf: {  	[dreg:$0x3] =	wrdreg $0x9  }
0xb0: {  	_ =	task.clear_ibuf [dreg:s6], $0x4FFFF;
	_ =	strace $0x90000046  }
0xb1: {  	s29 =	simm.s32 $0x9;
	_ =	strace $0x80000048  }
0xb2: {  	_ =	swait.ge [sflag:s29], $0x1  }
0xb3: {  	[sflag:s29] =	ssyncadd.s32 $0xFFFFFFFF  }
0xb4: {  	_ =	strace $0x90000048  }
0xb5: {  	_ =	sfence  }
0xb6: {  	s30 =	sld [smem:$0x0];
	_ =	sdelay $0x2  }
0xb7: {  	s31 =	sshll.u32 s1, $0xD;
	s1 =	sshrl.u32 s1, $0x2  }
0xb8: {  	s3 =	sand.u32 $0x4000, s31;
	s1 =	sadd.s32 s1, s30  }
0xb9: {  	s0 =	sor.u32 s3, s0;
	s1 =	sshll.u32 s1, $0x11  }
0xba: {  	s0 =	sor.u32 s1, s0  }
0xbb: {  	s0 =	sadd.s32 $0x8F2B, s0  }
0xbc: {  	[sflag:s0] =	ssyncadd.remote.s32 $0x1  }
0xbd: {  	_ =	sfence.sel $0xFFFF  }
0xbe: {  	[dreg:$0x0] =	wrdreg $0xFFFFFFFF;
	(pc) =	sbr.abs _section_cstart, $3  }
0xbf: {  	[dreg:$0x1] =	wrdreg $0xFFFFFFFF  }
0xc0: {  	_ =	task.clear_ibuf [dreg:s6], $0x2FFFF;
	_ =	strace $0x9FFFFFFF  }
0xc1: {  	(tm) =	ssettm $0x7FFFFFFF  }
tec
execute0_lowered:
.L_overlay_start_1:
0x0: {  	(tag) =	ssettag $0x1  }
0x1: {  	s0 =	srdreg.scid  }
0x2: {  	s2 =	rddreg [dreg:$0x0];
	s4 =	stileid.u32;
	s3 =	simm.s32 $0x0  }
0x3: {  	s11 =	simm.s32 $0x1;
	s13 =	simm.s32 $0x190;
	s14 =	simm.s32 $0x4E20  }
0x4: {  	s15 =	simm.s32 $0xB220;
	s16 =	simm.s32 $0x2;
	s0 =	sand.u32 $0x1, s0  }
0x5: {  	s17 =	simm.s32 $0x3;
	s18 =	simm.s32 $0x11620;
	s1 =	sshll.u32 s0, $0x4  }
0x6: {  	s19 =	simm.s32 $0x17A20;
	s20 =	simm.s32 $0x1DE20;
	s1 =	sor.u32 s4, s1  }
0x7: {  	s21 =	simm.s32 $0x4;
	s0 =	ssub.s32 $0x2, s0;
	s4 =	smul.u32 $0x2710, s1  }
0x8: {  	s22 =	simm.s32 $0x5;
	s23 =	simm.s32 $0x1DFB0;
	s7 =	sshrl.u32 s0, $0x1  }
0x9: {  	[smem:$0x7FF] =	sst s3;
	s0 =	ssub.s32 s0, s7;
	s1 =	sshrl.u32 s4, $0x3  }
0xa: {  	s6 =	sadd.s32 $0x3B000, s2;
	s0 =	smax.u32 s0, $0x1;
	s8 =	sadd.s32 s1, s2  }
0xb: {  	_ =	strace $0x80000047;
	[dreg:$0x5] =	wrdreg s0;
	s30 =	sadd.s32 $0x31200, s8  }
0xc: {  	s1 =	sadd.s32 s6, s1;
	s31 =	sadd.s32 $0x27400, s8;
	[dreg:$0x2] =	wrdreg s30  }
0xd: {  	v0 =	vlaneseq.u32;
	s24 =	simm.s32 $0x6;
	s1 =	sadd.s32 $0x4B0, s1;
	[dreg:$0x3] =	wrdreg s31  }
0xe: {  	s26 =	simm.s32 $0x0;
	s5 =	sadd.s32 $0x13A00, s2;
	v1 =	vmul.u32 $0x40, v0;
	v2 =	vand.u32 $0x7, v0;
	[dreg:$0x4] =	wrdreg s1  }
.LBB2_1:
0xf: {  	s0 =	rddreg [dreg:$0x2]  }
0x10: {  	[tilespmem:s3], [sflag:$0x1] =	stream.linear.gather [hbm4b:s0+s3], $0x2710, $0x38;
	[tilespmem:$0x1E140] =	vst v63  }
0x11: {  	_ =	swait.ge [sflag:s11], $0x2710  }
0x12: {  	[sflag:s11] =	ssyncset.done $0x0  }
0x13: {  	s1 =	simm.s32 $0x2710;
	s31 =	rddreg [dreg:$0x3];
	[sflag:s11] =	ssyncadd.s32 $0xFFFFD8F0  }
0x14: {  	[tilespmem:s1], [sflag:$0x1] =	stream.linear.gather [hbm4b:s31+s3], $0x2710, $0x38;
	[tilespmem:$0x1E140] =	vst v63  }
0x15: {  	_ =	swait.ge [sflag:s11], $0x2710  }
0x16: {  	[sflag:s11] =	ssyncset.done $0x0  }
0x17: {  	[sflag:s11] =	ssyncadd.s32 $0xFFFFD8F0  }
0x18: {  	[tilespmem:s14], [sflag:$0x2] =	stream.indirect.gather [hbm4b:s2+s13], $0x40, s3, s13, $0xb8;
	[tilespmem:$0x1E140] =	vst v63  }
0x19: {  	s28 =	simm.s32 $0x0  }
0x1a: {  	[tilespmem:s15], [sflag:$0x3] =	stream.indirect.gather [hbm4b:s5+s13], $0x40, s1, s13, $0xb8;
	[tilespmem:$0x1E140] =	vst v63  }
.LBB2_2:
0x1b: {  	_ =	swait.ge [sflag:s16], $0x6400  }
0x1c: {  	[sflag:s16] =	ssyncset.done $0x0  }
0x1d: {  	[sflag:s16] =	ssyncadd.s32 $0xFFFF9C00  }
0x1e: {  	s30 =	smul.u32 $0x320, s28;
	_ =	swait.ge [sflag:s17], $0x6400  }
0x1f: {  	[sflag:s17] =	ssyncset.done $0x0  }
0x20: {  	s29 =	sadd.s32 $0x190, s30;
	[sflag:s17] =	ssyncadd.s32 $0xFFFF9C00  }
0x21: {  	[tilespmem:s18], [sflag:$0x4] =	stream.indirect.gather [hbm4b:s2+s13], $0x40, s29, s13, $0xb8;
	[tilespmem:$0x1E140] =	vst v63  }
0x22: {  	p0 =	seq.s32 s28, $0x0;
	s0 =	sadd.s32 $0x28A0, s30  }
0x23: {  	[tilespmem:s19], [sflag:$0x5] =	stream.indirect.gather [hbm4b:s5+s13], $0x40, s0, s13, $0xb8;
	[tilespmem:$0x1E140] =	vst v63  }
0x24: {  	s0 =	simm.s32 @!p0 $0x6  }
0x25: {  	_ =	swait.ge @!p0 [sflag:s0], $0x190  }
0x26: {  	[sflag:s0] =	ssyncset.done @!p0 $0x0  }
0x27: {  	s31 =	simm.s32 $0x0;
	[sflag:s0] =	ssyncadd.s32 @!p0 $0xFFFFFE70  }
.LBB2_3:
0x28: {  	s0 =	sshll.u32 s31, $0x4  }
0x29: {  	s1 =	simm.s32 $0x3;
	v3 =	vmov s0  }
0x2a: {  	v4 =	vadd.s32 s1, v0;
	v3 =	vshll.u32 v3, $0x6  }
0x2b: {  	s7 =	simm.s32 $0x1;
	v4 =	vand.u32 $0x3F, v4;
	v3 =	vor.u32 v1, v3  }
0x2c: {  	v6 =	vadd.s32 s7, v0;
	v5 =	vor.u32 v3, v4  }
0x2d: {  	s8 =	simm.s32 $0xD;
	v6 =	vand.u32 $0x3F, v6  }
0x2e: {  	s9 =	simm.s32 $0x2;
	v15 =	vadd.s32 s8, v0;
	v6 =	vor.u32 v3, v6  }
0x2f: {  	v16 =	vadd.s32 s9, v0;
	s9 =	simm.s32 $0xB;
	v15 =	vand.u32 $0x3F, v15  }
0x30: {  	s10 =	simm.s32 $0x4;
	v16 =	vand.u32 $0x3F, v16;
	v25 =	vadd.s32 s9, v0;
	v15 =	vor.u32 v3, v15  }
0x31: {  	v25 =	vand.u32 $0x3F, v25;
	v4 =	vadd.s32 s10, v0;
	v16 =	vor.u32 v3, v16;
	v10 =	vld.idx.msk [tilespmem:v5+s14+$0x0], $0xffff  }
0x32: {  	s10 =	simm.s32 $0xF;
	v25 =	vor.u32 v3, v25;
	v4 =	vand.u32 $0x3F, v4;
	v11 =	vld.idx.msk [tilespmem:v5+s15+$0x0], $0xffff  }
0x33: {  	v19 =	vadd.s32 s10, v0;
	v7 =	vor.u32 v3, v4;
	v14 =	vld.idx.msk [tilespmem:v6+s15+$0x0], $0xffff  }
0x34: {  	s12 =	simm.s32 $0x9;
	v19 =	vand.u32 $0x3F, v19;
	v6 =	vld.idx.msk [tilespmem:v6+s14+$0x0], $0xffff  }
0x35: {  	s25 =	simm.s32 $0x8;
	v4 =	vadd.s32 s12, v0;
	v19 =	vor.u32 v3, v19;
	v29 =	vld.idx.msk [tilespmem:v15+s15+$0x0], $0xffff  }
0x36: {  	v8 =	vadd.s32 s25, v0;
	v9 =	vand.u32 $0x3F, v4;
	v31 =	vld.idx.msk [tilespmem:v16+s15+$0x0], $0xffff  }
0x37: {  	v8 =	vand.u32 $0x38, v8;
	v4 =	vor.u32 v2, v3;
	v9 =	vor.u32 v3, v9;
	v43 =	vld.idx.msk [tilespmem:v25+s15+$0x0], $0xffff  }
0x38: {  	s12 =	simm.s32 $0x5;
	v8 =	vor.u32 v8, v4;
	v12 =	vld.idx.msk [tilespmem:v7+s15+$0x0], $0xffff  }
0x39: {  	s8 =	simm.s32 $0x6;
	v21 =	vadd.s32 s12, v0;
	v7 =	vld.idx.msk [tilespmem:v7+s14+$0x0], $0xffff  }
0x3a: {  	v23 =	vadd.s32 s8, v0;
	v21 =	vand.u32 $0x3F, v21;
	v34 =	vld.idx.msk [tilespmem:v19+s14+$0x0], $0xffff  }
0x3b: {  	s7 =	simm.s32 $0x0;
	v23 =	vand.u32 $0x3F, v23;
	s12 =	simm.s32 $0xC;
	v5 =	vor.u32 v0, v3;
	v26 =	vor.u32 v3, v21;
	v38 =	vld.idx.msk [tilespmem:v19+s15+$0x0], $0xffff  }
0x3c: {  	s25 =	simm.s32 $0x7;
	v32 =	vor.u32 v3, v23;
	v23 =	vadd.s32 s12, v0;
	v13 =	vor.u32 s7, v5;
	v17 =	vld.idx.msk [tilespmem:v9+s15+$0x0], $0xffff  }
0x3d: {  	v22 =	vadd.s32 s25, v0;
	s25 =	simm.s32 $0xE;
	v23 =	vand.u32 $0x3F, v23;
	v20 =	vld.idx.msk [tilespmem:v8+s14+$0x0], $0xffff  }
0x3e: {  	v18 =	vimm.f32 $0.0e+00;
	v35 =	vadd.s32 s25, v0;
	s10 =	simm.s32 $0xA;
	v33 =	vor.u32 v3, v23;
	v9 =	vld.idx.msk [tilespmem:v9+s14+$0x0], $0xffff  }
0x3f: {  	v22 =	vand.u32 $0x3F, v22;
	v35 =	vand.u32 $0x3F, v35;
	v27 =	vld.idx.msk [tilespmem:v8+s15+$0x0], $0xffff;
	v8 =	vadd.s32 s10, v0  }
0x40: {  	v21 =	vshll.u32 v10, $0x10;
	v28 =	vshll.u32 v11, $0x10;
	v11 =	vmul.f32 v11, v10;
	v10 =	vld.idx.msk [tilespmem:v26+s15+$0x0], $0xffff  }
0x41: {  	v36 =	vor.u32 v3, v22;
	v35 =	vor.u32 v3, v35;
	v8 =	vand.u32 $0x3F, v8;
	v24 =	vld.idx.msk [tilespmem:v13+s14+$0x0], $0xffff  }
0x42: {  	v30 =	vshll.u32 v6, $0x10;
	v42 =	vshll.u32 v29, $0x10;
	v28 =	vmul.f32 v28, v21;
	v13 =	vld.idx.msk [tilespmem:v13+s15+$0x0], $0xffff  }
0x43: {  	v8 =	vor.u32 v3, v8;
	v21 =	vshll.u32 v14, $0x10;
	v14 =	vmul.f32 v14, v6;
	v41 =	vld.idx.msk [tilespmem:v33+s14+$0x0], $0xffff  }
0x44: {  	v44 =	vld.idx.msk [tilespmem:v33+s15+$0x0], $0xffff;
	v33 =	vshll.u32 v43, $0x10;
	v21 =	vmul.f32 v21, v30;
	v30 =	vshll.u32 v12, $0x10  }
0x45: {  	v39 =	vld.idx.msk [tilespmem:v32+s15+$0x0], $0xffff;
	v40 =	vmul.f32 v12, v7;
	v61 =	vshll.u32 v38, $0x10;
	v6 =	vmul.f32 v17, v9  }
0x46: {  	v16 =	vld.idx.msk [tilespmem:v16+s14+$0x0], $0xffff;
	v9 =	vshll.u32 v9, $0x10;
	v12 =	vshll.u32 v17, $0x10;
	v22 =	vadd.f32 v21, v18  }
0x47: {  	v9 =	vmul.f32 v12, v9;
	v12 =	vshll.u32 v31, $0x10;
	v21 =	vshll.u32 v10, $0x10  }
0x48: {  	v15 =	vld.idx.msk [tilespmem:v15+s14+$0x0], $0xffff;
	v23 =	vshll.u32 v24, $0x10;
	v19 =	vshll.u32 v13, $0x10;
	v13 =	vmul.f32 v13, v24  }
0x49: {  	v17 =	vld.idx.msk [tilespmem:v25+s14+$0x0], $0xffff;
	v24 =	vshll.u32 v7, $0x10;
	v7 =	vadd.f32 v14, v18;
	v14 =	vshll.u32 v34, $0x10  }
0x4a: {  	v37 =	vld.idx.msk [tilespmem:v8+s14+$0x0], $0xffff;
	v22 =	vadd.f32 v28, v22;
	v63 =	vshll.u32 v41, $0x10;
	v19 =	vmul.f32 v19, v23  }
0x4b: {  	v23 =	vld.idx.msk [tilespmem:v8+s15+$0x0], $0xffff;
	v60 =	vmul.f32 v30, v24;
	v8 =	vshll.u32 v16, $0x10;
	v30 =	vshll.u32 v39, $0x10  }
0x4c: {  	v32 =	vld.idx.msk [tilespmem:v32+s14+$0x0], $0xffff;
	v13 =	vadd.f32 v13, v18;
	v28 =	vmul.f32 v12, v8;
	v8 =	vshll.u32 v20, $0x10  }
0x4d: {  	v62 =	vld.idx.msk [tilespmem:v35+s15+$0x0], $0xffff;
	v12 =	vmul.f32 v31, v16;
	v16 =	vshll.u32 v27, $0x10;
	v31 =	vshll.u32 v15, $0x10  }
0x4e: {  	v18 =	vadd.f32 v19, v18;
	v19 =	vadd.f32 v11, v7;
	v11 =	vld.idx.msk [tilespmem:v36+s14+$0x0], $0xffff;
	v7 =	vmul.f32 v38, v34  }
0x4f: {  	v36 =	vld.idx.msk [tilespmem:v36+s15+$0x0], $0xffff;
	v25 =	vshll.u32 v17, $0x10;
	v24 =	vmul.f32 v16, v8;
	v8 =	vmul.f32 v61, v14  }
0x50: {  	v17 =	vmul.f32 v43, v17;
	v16 =	vmul.f32 v29, v15;
	v13 =	vadd.f32 v12, v13  }
0x51: {  	v15 =	vshll.u32 v44, $0x10;
	v12 =	vmul.f32 v27, v20;
	v27 =	vld.idx.msk [tilespmem:v35+s14+$0x0], $0xffff;
	v20 =	vadd.f32 v28, v18  }
0x52: {  	v29 =	vshll.u32 v62, $0x10;
	v35 =	vld.idx.msk [tilespmem:v26+s14+$0x0], $0xffff;
	v26 =	vmul.f32 v15, v63;
	v18 =	vadd.f32 v40, v13  }
0x53: {  	v14 =	vmul.f32 v23, v37;
	v13 =	vmul.f32 v44, v41;
	v34 =	vadd.f32 v60, v20  }
0x54: {  	v20 =	vmul.f32 v39, v32;
	v45 =	vshll.u32 v11, $0x10;
	v28 =	vmul.f32 v36, v11  }
0x55: {  	v11 =	vmul.f32 v42, v31;
	v31 =	vshll.u32 v36, $0x10;
	v36 =	vshll.u32 v32, $0x10  }
0x56: {  	s1 =	simm.s32 $0x1F;
	v32 =	vshll.u32 v37, $0x10;
	v31 =	vmul.f32 v31, v45;
	v15 =	vmul.f32 v62, v27  }
.LBB2_4:
0x57: {  	s7 =	sadd.s32 $0xFFFFFFF1, s1  }
0x58: {  	s8 =	sadd.s32 $0xFFFFFFF2, s1;
	s9 =	sadd.s32 $0xFFFFFFF4, s1;
	v37 =	vadd.s32 s1, v0;
	v30 =	vmul.f32 v30, v36;
	v23 =	vshll.u32 v23, $0x10;
	s12 =	smov.u32 s1  }
0x59: {  	v39 =	vshll.u32 v35, $0x10;
	v36 =	vadd.s32 s8, v0;
	s10 =	sadd.s32 $0xFFFFFFF3, s12;
	v38 =	vadd.s32 s9, v0;
	s9 =	sadd.s32 $0xFFFFFFF8, s12;
	s8 =	sadd.s32 $0x10, s1  }
0x5a: {  	p1 =	sne.s32 s1, $0x3F;
	v10 =	vmul.f32 v10, v35;
	v36 =	vand.u32 $0x3F, v36;
	v38 =	vand.u32 $0x3F, v38  }
0x5b: {  	s1 =	sadd.s32 $0xFFFFFFF5, s12;
	s25 =	sadd.s32 $0xFFFFFFF6, s12;
	v21 =	vmul.f32 v21, v39;
	v35 =	vor.u32 v3, v36;
	v36 =	vor.u32 v3, v38  }
0x5c: {  	v25 =	vmul.f32 v33, v25;
	v39 =	vadd.s32 s1, v0;
	v38 =	vadd.s32 s10, v0  }
0x5d: {  	s1 =	sadd.s32 $0xFFFFFFF9, s12;
	v33 =	vand.u32 $0x3F, v39;
	v39 =	vadd.s32 s25, v0;
	v21 =	vadd.f32 v21, v22  }
0x5e: {  	v10 =	vadd.f32 v10, v19;
	v22 =	vor.u32 v3, v33;
	v33 =	vadd.s32 s1, v0;
	s1 =	sadd.s32 $0xFFFFFFFA, s12  }
0x5f: {  	v27 =	vshll.u32 v27, $0x10;
	v19 =	vand.u32 $0x38, v33;
	v33 =	vadd.s32 s1, v0  }
0x60: {  	v30 =	vadd.f32 v30, v34;
	s1 =	sadd.s32 $0xFFFFFFF7, s12;
	v19 =	vor.u32 v19, v4;
	v33 =	vand.u32 $0x3F, v33  }
0x61: {  	v23 =	vmul.f32 v23, v32;
	v40 =	vadd.s32 s9, v0;
	s9 =	sadd.s32 $0xFFFFFFFC, s12;
	v33 =	vor.u32 v3, v33;
	v34 =	vld.idx.msk [tilespmem:v36+s14+$0x0], $0xffff  }
0x62: {  	v27 =	vmul.f32 v29, v27;
	v24 =	vadd.f32 v24, v30;
	v32 =	vld.idx.msk [tilespmem:v36+s15+$0x0], $0xffff;
	v36 =	vadd.s32 s1, v0  }
0x63: {  	v37 =	vand.u32 $0x3F, v37;
	v30 =	vadd.s32 s9, v0;
	v21 =	vadd.f32 v31, v21;
	s1 =	sadd.s32 $0xFFFFFFFE, s12;
	v29 =	vld.idx.msk [tilespmem:v22+s15+$0x0], $0xffff  }
0x64: {  	v10 =	vadd.f32 v28, v10;
	v31 =	vor.u32 s7, v5;
	v42 =	vadd.s32 s1, v0;
	v41 =	vld.idx.msk [tilespmem:v35+s15+$0x0], $0xffff  }
0x65: {  	v23 =	vadd.f32 v23, v24;
	s1 =	sadd.s32 $0xFFFFFFFB, s12;
	v28 =	vld.idx.msk [tilespmem:v35+s14+$0x0], $0xffff;
	v35 =	vand.u32 $0x3F, v38;
	v38 =	vand.u32 $0x3F, v39  }
0x66: {  	v9 =	vadd.f32 v9, v21;
	v42 =	vand.u32 $0x3F, v42;
	v39 =	vadd.s32 s1, v0;
	v24 =	vld.idx.msk [tilespmem:v33+s15+$0x0], $0xffff  }
0x67: {  	v21 =	vor.u32 v3, v35;
	v35 =	vand.u32 $0x3F, v39;
	v39 =	vor.u32 v3, v42;
	v43 =	vld.idx.msk [tilespmem:v19+s14+$0x0], $0xffff  }
0x68: {  	v42 =	vshll.u32 v34, $0x10;
	v38 =	vor.u32 v3, v38;
	v44 =	vshll.u32 v32, $0x10;
	v33 =	vld.idx.msk [tilespmem:v33+s14+$0x0], $0xffff  }
0x69: {  	v36 =	vand.u32 $0x3F, v36;
	v35 =	vor.u32 v3, v35;
	v42 =	vmul.f32 v44, v42;
	v45 =	vld.idx.msk [tilespmem:v31+s14+$0x0], $0xffff  }
0x6a: {  	v23 =	vadd.f32 v26, v23;
	v44 =	vshll.u32 v41, $0x10;
	v46 =	vld.idx.msk [tilespmem:v19+s15+$0x0], $0xffff;
	v19 =	vor.u32 v3, v37  }
0x6b: {  	v6 =	vadd.f32 v6, v10;
	v26 =	vshll.u32 v28, $0x10;
	v28 =	vmul.f32 v41, v28;
	v22 =	vld.idx.msk [tilespmem:v22+s14+$0x0], $0xffff  }
0x6c: {  	v27 =	vadd.f32 v27, v23;
	v36 =	vor.u32 v3, v36;
	s1 =	sadd.s32 $0xFFFFFFFD, s12;
	v26 =	vmul.f32 v44, v26;
	v37 =	vld.idx.msk [tilespmem:v39+s15+$0x0], $0xffff  }
0x6d: {  	v17 =	vadd.f32 v17, v6;
	v23 =	vadd.s32 s1, v0;
	v32 =	vmul.f32 v32, v34;
	v41 =	vld.idx.msk [tilespmem:v21+s15+$0x0], $0xffff  }
0x6e: {  	v18 =	vadd.f32 v20, v18;
	v30 =	vand.u32 $0x3F, v30;
	v6 =	vmul.f32 v24, v33;
	v31 =	vld.idx.msk [tilespmem:v31+s15+$0x0], $0xffff  }
0x6f: {  	v16 =	vadd.f32 v16, v17;
	v23 =	vand.u32 $0x3F, v23;
	v20 =	vshll.u32 v29, $0x10;
	v10 =	vld.idx.msk [tilespmem:v38+s15+$0x0], $0xffff  }
0x70: {  	v12 =	vadd.f32 v12, v18;
	v17 =	vor.u32 v3, v30;
	s1 =	sadd.s32 $0xFFFFFFFF, s12;
	v30 =	vor.u32 v3, v23;
	v34 =	vld.idx.msk [tilespmem:v39+s14+$0x0], $0xffff  }
0x71: {  	v9 =	vadd.f32 v25, v9;
	v23 =	vadd.s32 s1, v0;
	v18 =	vshll.u32 v45, $0x10;
	v39 =	vld.idx.msk [tilespmem:v19+s14+$0x0], $0xffff  }
0x72: {  	v12 =	vadd.f32 v14, v12;
	v25 =	vand.u32 $0x3F, v40;
	v23 =	vand.u32 $0x3F, v23;
	v40 =	vld.idx.msk [tilespmem:v35+s14+$0x0], $0xffff  }
0x73: {  	v14 =	vor.u32 v3, v25;
	v11 =	vadd.f32 v11, v9;
	v44 =	vor.u32 v3, v23;
	v47 =	vld.idx.msk [tilespmem:v19+s15+$0x0], $0xffff  }
0x74: {  	v12 =	vadd.f32 v13, v12;
	v9 =	vshll.u32 v31, $0x10;
	v19 =	vmul.f32 v31, v45;
	v31 =	vld.idx.msk [tilespmem:v36+s15+$0x0], $0xffff  }
0x75: {  	v7 =	vadd.f32 v7, v16;
	v13 =	vmul.f32 v9, v18;
	v9 =	vshll.u32 v33, $0x10;
	v18 =	vld.idx.msk [tilespmem:v17+s14+$0x0], $0xffff  }
0x76: {  	v12 =	vadd.f32 v15, v12;
	v29 =	vmul.f32 v29, v22;
	v16 =	vld.idx.msk [tilespmem:v21+s14+$0x0], $0xffff;
	v21 =	vshll.u32 v24, $0x10  }
0x77: {  	v8 =	vadd.f32 v8, v11;
	v15 =	vshll.u32 v22, $0x10;
	v9 =	vmul.f32 v21, v9;
	v45 =	vld.idx.msk [tilespmem:v30+s14+$0x0], $0xffff  }
0x78: {  	v7 =	vadd.f32 v28, v7;
	v11 =	vshll.u32 v41, $0x10;
	v28 =	vshll.u32 v39, $0x10;
	v23 =	vld.idx.msk [tilespmem:v35+s15+$0x0], $0xffff  }
0x79: {  	v8 =	vadd.f32 v26, v8;
	v12 =	vadd.f32 v19, v12;
	v21 =	vshll.u32 v10, $0x10;
	v26 =	vld.idx.msk [tilespmem:v30+s15+$0x0], $0xffff  }
0x7a: {  	v19 =	vadd.f32 v32, v7;
	v13 =	vadd.f32 v13, v27;
	v7 =	vmul.f32 v47, v39;
	v32 =	vld.idx.msk [tilespmem:v14+s14+$0x0], $0xffff  }
0x7b: {  	v22 =	vadd.f32 v42, v8;
	v15 =	vmul.f32 v20, v15;
	v20 =	vshll.u32 v37, $0x10;
	v14 =	vld.idx.msk [tilespmem:v14+s15+$0x0], $0xffff  }
0x7c: {  	v30 =	vshll.u32 v31, $0x10;
	v25 =	vshll.u32 v18, $0x10;
	v8 =	vshll.u32 v16, $0x10;
	v33 =	vld.idx.msk [tilespmem:v17+s15+$0x0], $0xffff  }
0x7d: {  	v11 =	vmul.f32 v11, v8;
	v8 =	vshll.u32 v43, $0x10;
	v17 =	vshll.u32 v34, $0x10;
	v27 =	vld.idx.msk [tilespmem:v44+s14+$0x0], $0xffff  }
0x7e: {  	v24 =	vshll.u32 v46, $0x10;
	v35 =	vshll.u32 v47, $0x10;
	v16 =	vmul.f32 v41, v16;
	v39 =	vld.idx.msk [tilespmem:v36+s14+$0x0], $0xffff  }
0x7f: {  	v24 =	vmul.f32 v24, v8;
	v8 =	vmul.f32 v35, v28;
	v41 =	vld.idx.msk [tilespmem:v44+s15+$0x0], $0xffff  }
0x80: {  	v36 =	vadd.f32 v16, v12;
	v12 =	vmul.f32 v46, v43;
	v35 =	vld.idx.msk [tilespmem:v38+s14+$0x0], $0xffff;
	v38 =	vshll.u32 v32, $0x10  }
0x81: {  	v42 =	vadd.f32 v11, v13;
	v11 =	vmul.f32 v20, v17;
	v28 =	vmul.f32 v14, v32  }
0x82: {  	v16 =	vmul.f32 v37, v34;
	v32 =	vshll.u32 v14, $0x10;
	v17 =	vmul.f32 v33, v18  }
.Ltmp0:
0x83: {  	v14 =	vmul.f32 v23, v40;
	v18 =	vadd.f32 v29, v36;
	(pc) =	sbr.rel @p1 .LBB2_4-.Ltmp0, $4  }
0x84: {  	v37 =	vshll.u32 v26, $0x10;
	v33 =	vshll.u32 v33, $0x10;
	v36 =	vshll.u32 v39, $0x10  }
0x85: {  	v43 =	vshll.u32 v45, $0x10;
	v13 =	vmul.f32 v26, v45;
	v29 =	vshll.u32 v41, $0x10  }
0x86: {  	v34 =	vadd.f32 v15, v42;
	v20 =	vmul.f32 v31, v39;
	v31 =	vmul.f32 v32, v38  }
0x87: {  	s1 =	smov.u32 s8;
	v26 =	vmul.f32 v37, v43;
	v32 =	vshll.u32 v40, $0x10;
	v15 =	vmul.f32 v41, v27  }
0x88: {  	v4 =	vshll.u32 v35, $0x10  }
0x89: {  	v3 =	vmul.f32 v10, v35;
	v4 =	vmul.f32 v21, v4  }
0x8a: {  	v5 =	vmul.f32 v30, v36  }
0x8b: {  	v3 =	vadd.f32 v3, v19;
	v4 =	vadd.f32 v4, v22  }
0x8c: {  	v18 =	vadd.f32 v20, v18;
	v5 =	vadd.f32 v5, v34  }
0x8d: {  	v58 =	vshll.u32 v23, $0x10;
	v3 =	vadd.f32 v28, v3;
	v4 =	vadd.f32 v31, v4  }
0x8e: {  	v10 =	vmul.f32 v58, v32;
	v60 =	vadd.f32 v12, v18;
	v5 =	vadd.f32 v24, v5  }
0x8f: {  	v59 =	vmul.f32 v33, v25;
	v3 =	vadd.f32 v6, v3;
	v4 =	vadd.f32 v9, v4  }
0x90: {  	v62 =	vadd.f32 v14, v60;
	v5 =	vadd.f32 v10, v5  }
0x91: {  	v61 =	vshll.u32 v27, $0x10;
	v3 =	vadd.f32 v17, v3;
	v4 =	vadd.f32 v59, v4  }
0x92: {  	v63 =	vmul.f32 v29, v61;
	v6 =	vadd.f32 v13, v62;
	v5 =	vadd.f32 v26, v5  }
0x93: {  	v3 =	vadd.f32 v16, v3;
	v4 =	vadd.f32 v11, v4  }
0x94: {  	v6 =	vadd.f32 v15, v6;
	v5 =	vadd.f32 v63, v5  }
0x95: {  	s31 =	sadd.s32 $0x1, s31;
	v3 =	vadd.f32 v7, v3;
	v4 =	vadd.f32 v8, v4  }
0x96: {  	p1 =	sne.s32 s31, $0x19  }
.Ltmp1:
0x97: {  	v5 =	vadd.f32 v6, v5;
	v3 =	vadd.f32 v3, v4;
	(pc) =	sbr.rel @p1 .LBB2_3-.Ltmp1, $3  }
0x98: {  	_ = 	snop  }
0x99: {  	v3 =	vadd.f32 v3, v5;
	_ =	sdelay $0x1  }
0x9a: {  	[tilespmem:s0+$0x1DE20] =	vst v3  }
0x9b: {  	s0 =	sadd.s32 s4, s30  }
0x9c: {  	s0 =	sshrl.u32 s0, $0x3  }
0x9d: {  	s0 =	sadd.s32 s6, s0  }
0x9e: {  	[hbm4b:s0+s3] =	stream.linear.scatter [tilespmem:s20], [sflag:$0x6], $0x190, $0x38;
	[tilespmem:$0x1E140] =	vst v63  }
0x9f: {  	_ =	swait.ge [sflag:s21], $0x6400  }
0xa0: {  	[sflag:s21] =	ssyncset.done $0x0  }
0xa1: {  	[sflag:s21] =	ssyncadd.s32 $0xFFFF9C00  }
0xa2: {  	_ =	swait.ge [sflag:s22], $0x6400  }
0xa3: {  	[sflag:s22] =	ssyncset.done $0x0  }
0xa4: {  	s25 =	sadd.s32 $0x320, s30;
	[sflag:s22] =	ssyncadd.s32 $0xFFFF9C00  }
0xa5: {  	[tilespmem:s14], [sflag:$0x2] =	stream.indirect.gather [hbm4b:s2+s13], $0x40, s25, s13, $0xb8;
	[tilespmem:$0x1E140] =	vst v63  }
0xa6: {  	s31 =	sadd.s32 $0x2A30, s30;
	s0 =	simm.s32 @!p0 $0x7  }
0xa7: {  	[tilespmem:s15], [sflag:$0x3] =	stream.indirect.gather [hbm4b:s5+s13], $0x40, s31, s13, $0xb8;
	[tilespmem:$0x1E140] =	vst v63  }
0xa8: {  	_ =	swait.ge @!p0 [sflag:s0], $0x190  }
0xa9: {  	[sflag:s0] =	ssyncset.done @!p0 $0x0  }
0xaa: {  	s30 =	simm.s32 $0x0;
	[sflag:s0] =	ssyncadd.s32 @!p0 $0xFFFFFE70  }
.LBB2_7:
0xab: {  	s0 =	sshll.u32 s30, $0x4  }
0xac: {  	s1 =	simm.s32 $0x3;
	v3 =	vmov s0  }
0xad: {  	v4 =	vadd.s32 s1, v0;
	v3 =	vshll.u32 v3, $0x6  }
0xae: {  	s7 =	simm.s32 $0x1;
	v4 =	vand.u32 $0x3F, v4;
	v3 =	vor.u32 v1, v3  }
0xaf: {  	v6 =	vadd.s32 s7, v0;
	v5 =	vor.u32 v3, v4  }
0xb0: {  	s10 =	simm.s32 $0xD;
	v6 =	vand.u32 $0x3F, v6  }
0xb1: {  	s12 =	simm.s32 $0x2;
	v15 =	vadd.s32 s10, v0;
	v6 =	vor.u32 v3, v6  }
0xb2: {  	v16 =	vadd.s32 s12, v0;
	v15 =	vand.u32 $0x3F, v15  }
0xb3: {  	s25 =	simm.s32 $0xF;
	v16 =	vand.u32 $0x3F, v16;
	v15 =	vor.u32 v3, v15  }
0xb4: {  	v19 =	vadd.s32 s25, v0;
	v16 =	vor.u32 v3, v16;
	v10 =	vld.idx.msk [tilespmem:v5+s18+$0x0], $0xffff  }
0xb5: {  	v19 =	vand.u32 $0x3F, v19;
	v11 =	vld.idx.msk [tilespmem:v5+s19+$0x0], $0xffff  }
0xb6: {  	s31 =	simm.s32 $0x4;
	v19 =	vor.u32 v3, v19;
	v14 =	vld.idx.msk [tilespmem:v6+s19+$0x0], $0xffff  }
0xb7: {  	v4 =	vadd.s32 s31, v0;
	v6 =	vld.idx.msk [tilespmem:v6+s18+$0x0], $0xffff  }
0xb8: {  	s7 =	simm.s32 $0x9;
	v4 =	vand.u32 $0x3F, v4;
	v29 =	vld.idx.msk [tilespmem:v15+s19+$0x0], $0xffff  }
0xb9: {  	s8 =	simm.s32 $0x8;
	v7 =	vor.u32 v3, v4;
	v4 =	vadd.s32 s7, v0;
	v31 =	vld.idx.msk [tilespmem:v16+s19+$0x0], $0xffff  }
0xba: {  	v8 =	vadd.s32 s8, v0;
	v9 =	vand.u32 $0x3F, v4;
	v15 =	vld.idx.msk [tilespmem:v15+s18+$0x0], $0xffff  }
0xbb: {  	s10 =	simm.s32 $0xB;
	v8 =	vand.u32 $0x38, v8;
	v4 =	vor.u32 v2, v3;
	v9 =	vor.u32 v3, v9;
	v34 =	vld.idx.msk [tilespmem:v19+s18+$0x0], $0xffff  }
0xbc: {  	v18 =	vimm.f32 $0.0e+00;
	s8 =	simm.s32 $0x7;
	v25 =	vadd.s32 s10, v0;
	s31 =	simm.s32 $0x5;
	v8 =	vor.u32 v8, v4;
	v38 =	vld.idx.msk [tilespmem:v19+s19+$0x0], $0xffff  }
0xbd: {  	v22 =	vadd.s32 s8, v0;
	v25 =	vand.u32 $0x3F, v25;
	v21 =	vadd.s32 s31, v0;
	v16 =	vld.idx.msk [tilespmem:v16+s18+$0x0], $0xffff  }
0xbe: {  	s9 =	simm.s32 $0x0;
	v22 =	vand.u32 $0x3F, v22;
	s31 =	simm.s32 $0xE;
	v21 =	vand.u32 $0x3F, v21;
	v5 =	vor.u32 v0, v3;
	v12 =	vld.idx.msk [tilespmem:v7+s19+$0x0], $0xffff  }
0xbf: {  	v35 =	vadd.s32 s31, v0;
	v26 =	vor.u32 v3, v21;
	v13 =	vor.u32 s9, v5;
	s9 =	simm.s32 $0x6;
	v7 =	vld.idx.msk [tilespmem:v7+s18+$0x0], $0xffff  }
0xc0: {  	v25 =	vor.u32 v3, v25;
	v35 =	vand.u32 $0x3F, v35;
	v23 =	vadd.s32 s9, v0;
	v17 =	vld.idx.msk [tilespmem:v9+s19+$0x0], $0xffff  }
0xc1: {  	s12 =	simm.s32 $0xA;
	s25 =	simm.s32 $0xC;
	v36 =	vor.u32 v3, v22;
	v35 =	vor.u32 v3, v35;
	v23 =	vand.u32 $0x3F, v23;
	v20 =	vld.idx.msk [tilespmem:v8+s18+$0x0], $0xffff  }
0xc2: {  	v27 =	vld.idx.msk [tilespmem:v8+s19+$0x0], $0xffff;
	v8 =	vadd.s32 s12, v0;
	v32 =	vor.u32 v3, v23;
	v23 =	vadd.s32 s25, v0  }
0xc3: {  	v9 =	vld.idx.msk [tilespmem:v9+s18+$0x0], $0xffff;
	v21 =	vshll.u32 v10, $0x10;
	v28 =	vshll.u32 v11, $0x10;
	v8 =	vand.u32 $0x3F, v8  }
0xc4: {  	v30 =	vshll.u32 v6, $0x10;
	v11 =	vmul.f32 v11, v10;
	v10 =	vld.idx.msk [tilespmem:v26+s19+$0x0], $0xffff;
	v23 =	vand.u32 $0x3F, v23  }
0xc5: {  	v42 =	vshll.u32 v29, $0x10;
	v24 =	vld.idx.msk [tilespmem:v13+s18+$0x0], $0xffff;
	v28 =	vmul.f32 v28, v21;
	v8 =	vor.u32 v3, v8  }
0xc6: {  	v21 =	vshll.u32 v14, $0x10;
	v14 =	vmul.f32 v14, v6;
	v13 =	vld.idx.msk [tilespmem:v13+s19+$0x0], $0xffff;
	v33 =	vor.u32 v3, v23  }
0xc7: {  	v43 =	vld.idx.msk [tilespmem:v25+s19+$0x0], $0xffff;
	v21 =	vmul.f32 v21, v30;
	v30 =	vshll.u32 v12, $0x10;
	v40 =	vmul.f32 v12, v7  }
0xc8: {  	v6 =	vmul.f32 v17, v9;
	v39 =	vld.idx.msk [tilespmem:v32+s19+$0x0], $0xffff;
	v9 =	vshll.u32 v9, $0x10;
	v12 =	vshll.u32 v17, $0x10  }
0xc9: {  	v61 =	vshll.u32 v38, $0x10;
	v17 =	vld.idx.msk [tilespmem:v25+s18+$0x0], $0xffff;
	v22 =	vadd.f32 v21, v18;
	v9 =	vmul.f32 v12, v9  }
0xca: {  	v12 =	vshll.u32 v31, $0x10;
	v21 =	vshll.u32 v10, $0x10;
	v23 =	vshll.u32 v24, $0x10;
	v37 =	vld.idx.msk [tilespmem:v8+s18+$0x0], $0xffff  }
0xcb: {  	v19 =	vshll.u32 v13, $0x10;
	v13 =	vmul.f32 v13, v24;
	v24 =	vshll.u32 v7, $0x10;
	v41 =	vld.idx.msk [tilespmem:v33+s18+$0x0], $0xffff  }
0xcc: {  	v7 =	vadd.f32 v14, v18;
	v14 =	vshll.u32 v34, $0x10;
	v22 =	vadd.f32 v28, v22;
	v44 =	vld.idx.msk [tilespmem:v33+s19+$0x0], $0xffff  }
0xcd: {  	v33 =	vshll.u32 v43, $0x10;
	v19 =	vmul.f32 v19, v23;
	v23 =	vld.idx.msk [tilespmem:v8+s19+$0x0], $0xffff;
	v8 =	vshll.u32 v16, $0x10  }
0xce: {  	v62 =	vld.idx.msk [tilespmem:v35+s19+$0x0], $0xffff;
	v60 =	vmul.f32 v30, v24;
	v13 =	vadd.f32 v13, v18;
	v28 =	vmul.f32 v12, v8  }
0xcf: {  	v8 =	vshll.u32 v20, $0x10;
	v12 =	vmul.f32 v31, v16;
	v16 =	vshll.u32 v27, $0x10  }
0xd0: {  	v32 =	vld.idx.msk [tilespmem:v32+s18+$0x0], $0xffff;
	v31 =	vshll.u32 v15, $0x10;
	v18 =	vadd.f32 v19, v18;
	v19 =	vadd.f32 v11, v7  }
0xd1: {  	v11 =	vld.idx.msk [tilespmem:v36+s18+$0x0], $0xffff;
	v7 =	vmul.f32 v38, v34;
	v30 =	vshll.u32 v39, $0x10;
	v24 =	vmul.f32 v16, v8  }
0xd2: {  	v36 =	vld.idx.msk [tilespmem:v36+s19+$0x0], $0xffff;
	v25 =	vshll.u32 v17, $0x10;
	v8 =	vmul.f32 v61, v14;
	v17 =	vmul.f32 v43, v17  }
0xd3: {  	v16 =	vmul.f32 v29, v15;
	v29 =	vshll.u32 v62, $0x10;
	v13 =	vadd.f32 v12, v13  }
0xd4: {  	v12 =	vmul.f32 v27, v20;
	v27 =	vld.idx.msk [tilespmem:v35+s18+$0x0], $0xffff;
	v20 =	vadd.f32 v28, v18;
	v15 =	vshll.u32 v44, $0x10  }
0xd5: {  	v63 =	vshll.u32 v41, $0x10;
	v18 =	vadd.f32 v40, v13;
	v14 =	vmul.f32 v23, v37  }
0xd6: {  	v35 =	vld.idx.msk [tilespmem:v26+s18+$0x0], $0xffff;
	v13 =	vmul.f32 v44, v41;
	v26 =	vmul.f32 v15, v63;
	v34 =	vadd.f32 v60, v20  }
0xd7: {  	v20 =	vmul.f32 v39, v32;
	v45 =	vshll.u32 v11, $0x10;
	v28 =	vmul.f32 v36, v11  }
0xd8: {  	v11 =	vmul.f32 v42, v31;
	v31 =	vshll.u32 v36, $0x10;
	v36 =	vshll.u32 v32, $0x10  }
0xd9: {  	s8 =	simm.s32 $0x1F;
	v32 =	vshll.u32 v37, $0x10;
	v31 =	vmul.f32 v31, v45;
	v15 =	vmul.f32 v62, v27  }
.LBB2_8:
0xda: {  	s7 =	sadd.s32 $0xFFFFFFF1, s8  }
0xdb: {  	s1 =	sadd.s32 $0xFFFFFFF2, s8;
	s9 =	sadd.s32 $0xFFFFFFF4, s8;
	v37 =	vadd.s32 s8, v0;
	v30 =	vmul.f32 v30, v36;
	v23 =	vshll.u32 v23, $0x10;
	s12 =	smov.u32 s8  }
0xdc: {  	v39 =	vshll.u32 v35, $0x10;
	v36 =	vadd.s32 s1, v0;
	s10 =	sadd.s32 $0xFFFFFFF3, s12;
	v38 =	vadd.s32 s9, v0;
	s9 =	sadd.s32 $0xFFFFFFF8, s12;
	s1 =	sadd.s32 $0x10, s8  }
0xdd: {  	p0 =	sne.s32 s8, $0x3F;
	v10 =	vmul.f32 v10, v35;
	v36 =	vand.u32 $0x3F, v36;
	v38 =	vand.u32 $0x3F, v38  }
0xde: {  	s8 =	sadd.s32 $0xFFFFFFF5, s12;
	s25 =	sadd.s32 $0xFFFFFFF6, s12;
	v21 =	vmul.f32 v21, v39;
	v35 =	vor.u32 v3, v36;
	v36 =	vor.u32 v3, v38  }
0xdf: {  	v25 =	vmul.f32 v33, v25;
	v39 =	vadd.s32 s8, v0;
	v38 =	vadd.s32 s10, v0  }
0xe0: {  	s8 =	sadd.s32 $0xFFFFFFF9, s12;
	v33 =	vand.u32 $0x3F, v39;
	v39 =	vadd.s32 s25, v0;
	v21 =	vadd.f32 v21, v22  }
0xe1: {  	v10 =	vadd.f32 v10, v19;
	v22 =	vor.u32 v3, v33;
	v33 =	vadd.s32 s8, v0;
	s8 =	sadd.s32 $0xFFFFFFFA, s12  }
0xe2: {  	v27 =	vshll.u32 v27, $0x10;
	v19 =	vand.u32 $0x38, v33;
	v33 =	vadd.s32 s8, v0  }
0xe3: {  	v30 =	vadd.f32 v30, v34;
	s8 =	sadd.s32 $0xFFFFFFF7, s12;
	v19 =	vor.u32 v19, v4;
	v33 =	vand.u32 $0x3F, v33  }
0xe4: {  	v23 =	vmul.f32 v23, v32;
	v40 =	vadd.s32 s9, v0;
	s9 =	sadd.s32 $0xFFFFFFFC, s12;
	v33 =	vor.u32 v3, v33;
	v34 =	vld.idx.msk [tilespmem:v36+s18+$0x0], $0xffff  }
0xe5: {  	v27 =	vmul.f32 v29, v27;
	v24 =	vadd.f32 v24, v30;
	v32 =	vld.idx.msk [tilespmem:v36+s19+$0x0], $0xffff;
	v36 =	vadd.s32 s8, v0  }
0xe6: {  	v37 =	vand.u32 $0x3F, v37;
	v30 =	vadd.s32 s9, v0;
	v21 =	vadd.f32 v31, v21;
	s8 =	sadd.s32 $0xFFFFFFFE, s12;
	v29 =	vld.idx.msk [tilespmem:v22+s19+$0x0], $0xffff  }
0xe7: {  	v10 =	vadd.f32 v28, v10;
	v31 =	vor.u32 s7, v5;
	v42 =	vadd.s32 s8, v0;
	v41 =	vld.idx.msk [tilespmem:v35+s19+$0x0], $0xffff  }
0xe8: {  	s7 =	sadd.s32 $0xFFFFFFFB, s12;
	v23 =	vadd.f32 v23, v24;
	v28 =	vld.idx.msk [tilespmem:v35+s18+$0x0], $0xffff;
	v35 =	vand.u32 $0x3F, v38;
	v38 =	vand.u32 $0x3F, v39  }
0xe9: {  	v9 =	vadd.f32 v9, v21;
	v42 =	vand.u32 $0x3F, v42;
	v39 =	vadd.s32 s7, v0;
	v24 =	vld.idx.msk [tilespmem:v33+s19+$0x0], $0xffff  }
0xea: {  	v21 =	vor.u32 v3, v35;
	v35 =	vand.u32 $0x3F, v39;
	v39 =	vor.u32 v3, v42;
	v43 =	vld.idx.msk [tilespmem:v19+s18+$0x0], $0xffff  }
0xeb: {  	v42 =	vshll.u32 v34, $0x10;
	v38 =	vor.u32 v3, v38;
	v44 =	vshll.u32 v32, $0x10;
	v33 =	vld.idx.msk [tilespmem:v33+s18+$0x0], $0xffff  }
0xec: {  	v36 =	vand.u32 $0x3F, v36;
	v35 =	vor.u32 v3, v35;
	v42 =	vmul.f32 v44, v42;
	v45 =	vld.idx.msk [tilespmem:v31+s18+$0x0], $0xffff  }
0xed: {  	v23 =	vadd.f32 v26, v23;
	v44 =	vshll.u32 v41, $0x10;
	v46 =	vld.idx.msk [tilespmem:v19+s19+$0x0], $0xffff;
	v19 =	vor.u32 v3, v37  }
0xee: {  	v6 =	vadd.f32 v6, v10;
	v26 =	vshll.u32 v28, $0x10;
	v28 =	vmul.f32 v41, v28;
	v22 =	vld.idx.msk [tilespmem:v22+s18+$0x0], $0xffff  }
0xef: {  	v27 =	vadd.f32 v27, v23;
	v36 =	vor.u32 v3, v36;
	s7 =	sadd.s32 $0xFFFFFFFD, s12;
	v26 =	vmul.f32 v44, v26;
	v37 =	vld.idx.msk [tilespmem:v39+s19+$0x0], $0xffff  }
0xf0: {  	v17 =	vadd.f32 v17, v6;
	v23 =	vadd.s32 s7, v0;
	v32 =	vmul.f32 v32, v34;
	v41 =	vld.idx.msk [tilespmem:v21+s19+$0x0], $0xffff  }
0xf1: {  	v18 =	vadd.f32 v20, v18;
	v30 =	vand.u32 $0x3F, v30;
	v6 =	vmul.f32 v24, v33;
	v31 =	vld.idx.msk [tilespmem:v31+s19+$0x0], $0xffff  }
0xf2: {  	v16 =	vadd.f32 v16, v17;
	v23 =	vand.u32 $0x3F, v23;
	v20 =	vshll.u32 v29, $0x10;
	v10 =	vld.idx.msk [tilespmem:v38+s19+$0x0], $0xffff  }
0xf3: {  	v12 =	vadd.f32 v12, v18;
	v17 =	vor.u32 v3, v30;
	s7 =	sadd.s32 $0xFFFFFFFF, s12;
	v30 =	vor.u32 v3, v23;
	v34 =	vld.idx.msk [tilespmem:v39+s18+$0x0], $0xffff  }
0xf4: {  	v9 =	vadd.f32 v25, v9;
	v23 =	vadd.s32 s7, v0;
	v18 =	vshll.u32 v45, $0x10;
	v39 =	vld.idx.msk [tilespmem:v19+s18+$0x0], $0xffff  }
0xf5: {  	v12 =	vadd.f32 v14, v12;
	v25 =	vand.u32 $0x3F, v40;
	v23 =	vand.u32 $0x3F, v23;
	v40 =	vld.idx.msk [tilespmem:v35+s18+$0x0], $0xffff  }
0xf6: {  	v14 =	vor.u32 v3, v25;
	v11 =	vadd.f32 v11, v9;
	v44 =	vor.u32 v3, v23;
	v47 =	vld.idx.msk [tilespmem:v19+s19+$0x0], $0xffff  }
0xf7: {  	v12 =	vadd.f32 v13, v12;
	v9 =	vshll.u32 v31, $0x10;
	v19 =	vmul.f32 v31, v45;
	v31 =	vld.idx.msk [tilespmem:v36+s19+$0x0], $0xffff  }
0xf8: {  	v7 =	vadd.f32 v7, v16;
	v13 =	vmul.f32 v9, v18;
	v9 =	vshll.u32 v33, $0x10;
	v18 =	vld.idx.msk [tilespmem:v17+s18+$0x0], $0xffff  }
0xf9: {  	v12 =	vadd.f32 v15, v12;
	v29 =	vmul.f32 v29, v22;
	v16 =	vld.idx.msk [tilespmem:v21+s18+$0x0], $0xffff;
	v21 =	vshll.u32 v24, $0x10  }
0xfa: {  	v8 =	vadd.f32 v8, v11;
	v15 =	vshll.u32 v22, $0x10;
	v9 =	vmul.f32 v21, v9;
	v45 =	vld.idx.msk [tilespmem:v30+s18+$0x0], $0xffff  }
0xfb: {  	v7 =	vadd.f32 v28, v7;
	v11 =	vshll.u32 v41, $0x10;
	v28 =	vshll.u32 v39, $0x10;
	v23 =	vld.idx.msk [tilespmem:v35+s19+$0x0], $0xffff  }
0xfc: {  	v8 =	vadd.f32 v26, v8;
	v12 =	vadd.f32 v19, v12;
	v21 =	vshll.u32 v10, $0x10;
	v26 =	vld.idx.msk [tilespmem:v30+s19+$0x0], $0xffff  }
0xfd: {  	v19 =	vadd.f32 v32, v7;
	v13 =	vadd.f32 v13, v27;
	v7 =	vmul.f32 v47, v39;
	v32 =	vld.idx.msk [tilespmem:v14+s18+$0x0], $0xffff  }
0xfe: {  	v22 =	vadd.f32 v42, v8;
	v15 =	vmul.f32 v20, v15;
	v20 =	vshll.u32 v37, $0x10;
	v14 =	vld.idx.msk [tilespmem:v14+s19+$0x0], $0xffff  }
0xff: {  	v30 =	vshll.u32 v31, $0x10;
	v25 =	vshll.u32 v18, $0x10;
	v8 =	vshll.u32 v16, $0x10;
	v33 =	vld.idx.msk [tilespmem:v17+s19+$0x0], $0xffff  }
0x100: {  	v11 =	vmul.f32 v11, v8;
	v8 =	vshll.u32 v43, $0x10;
	v17 =	vshll.u32 v34, $0x10;
	v27 =	vld.idx.msk [tilespmem:v44+s18+$0x0], $0xffff  }
0x101: {  	v24 =	vshll.u32 v46, $0x10;
	v35 =	vshll.u32 v47, $0x10;
	v16 =	vmul.f32 v41, v16;
	v39 =	vld.idx.msk [tilespmem:v36+s18+$0x0], $0xffff  }
0x102: {  	v24 =	vmul.f32 v24, v8;
	v8 =	vmul.f32 v35, v28;
	v41 =	vld.idx.msk [tilespmem:v44+s19+$0x0], $0xffff  }
0x103: {  	v36 =	vadd.f32 v16, v12;
	v12 =	vmul.f32 v46, v43;
	v35 =	vld.idx.msk [tilespmem:v38+s18+$0x0], $0xffff;
	v38 =	vshll.u32 v32, $0x10  }
0x104: {  	v42 =	vadd.f32 v11, v13;
	v11 =	vmul.f32 v20, v17;
	v28 =	vmul.f32 v14, v32  }
0x105: {  	v16 =	vmul.f32 v37, v34;
	v32 =	vshll.u32 v14, $0x10;
	v17 =	vmul.f32 v33, v18  }
.Ltmp2:
0x106: {  	v14 =	vmul.f32 v23, v40;
	v18 =	vadd.f32 v29, v36;
	(pc) =	sbr.rel @p0 .LBB2_8-.Ltmp2, $4  }
0x107: {  	v37 =	vshll.u32 v26, $0x10;
	v33 =	vshll.u32 v33, $0x10;
	v36 =	vshll.u32 v39, $0x10  }
0x108: {  	v43 =	vshll.u32 v45, $0x10;
	v13 =	vmul.f32 v26, v45;
	v29 =	vshll.u32 v41, $0x10  }
0x109: {  	v34 =	vadd.f32 v15, v42;
	v20 =	vmul.f32 v31, v39;
	v31 =	vmul.f32 v32, v38  }
0x10a: {  	s8 =	smov.u32 s1;
	v26 =	vmul.f32 v37, v43;
	v32 =	vshll.u32 v40, $0x10;
	v15 =	vmul.f32 v41, v27  }
0x10b: {  	v4 =	vshll.u32 v35, $0x10  }
0x10c: {  	v3 =	vmul.f32 v10, v35;
	v4 =	vmul.f32 v21, v4  }
0x10d: {  	v5 =	vmul.f32 v30, v36  }
0x10e: {  	v3 =	vadd.f32 v3, v19;
	v4 =	vadd.f32 v4, v22  }
0x10f: {  	v18 =	vadd.f32 v20, v18;
	v5 =	vadd.f32 v5, v34  }
0x110: {  	v58 =	vshll.u32 v23, $0x10;
	v3 =	vadd.f32 v28, v3;
	v4 =	vadd.f32 v31, v4  }
0x111: {  	v10 =	vmul.f32 v58, v32;
	v60 =	vadd.f32 v12, v18;
	v5 =	vadd.f32 v24, v5  }
0x112: {  	v59 =	vmul.f32 v33, v25;
	v3 =	vadd.f32 v6, v3;
	v4 =	vadd.f32 v9, v4  }
0x113: {  	v62 =	vadd.f32 v14, v60;
	v5 =	vadd.f32 v10, v5  }
0x114: {  	v61 =	vshll.u32 v27, $0x10;
	v3 =	vadd.f32 v17, v3;
	v4 =	vadd.f32 v59, v4  }
0x115: {  	v63 =	vmul.f32 v29, v61;
	v6 =	vadd.f32 v13, v62;
	v5 =	vadd.f32 v26, v5  }
0x116: {  	v3 =	vadd.f32 v16, v3;
	v4 =	vadd.f32 v11, v4  }
0x117: {  	v6 =	vadd.f32 v15, v6;
	v5 =	vadd.f32 v63, v5  }
0x118: {  	s30 =	sadd.s32 $0x1, s30;
	v3 =	vadd.f32 v7, v3;
	v4 =	vadd.f32 v8, v4  }
0x119: {  	p0 =	sne.s32 s30, $0x19  }
.Ltmp3:
0x11a: {  	v5 =	vadd.f32 v6, v5;
	v3 =	vadd.f32 v3, v4;
	(pc) =	sbr.rel @p0 .LBB2_7-.Ltmp3, $3  }
0x11b: {  	_ = 	snop  }
0x11c: {  	v3 =	vadd.f32 v3, v5;
	_ =	sdelay $0x1  }
0x11d: {  	[tilespmem:s0+$0x1DFB0] =	vst v3  }
0x11e: {  	s28 =	sadd.s32 $0x1, s28  }
0x11f: {  	p0 =	sne.s32 s28, $0xC  }
.Ltmp4:
0x120: {  	_ = 	snop;
	(pc) =	sbr.rel @p0 .LBB2_2-.Ltmp4, $4  }
0x121: {  	s0 =	sadd.s32 s4, s29  }
0x122: {  	s0 =	sshrl.u32 s0, $0x3  }
0x123: {  	s0 =	sadd.s32 s6, s0  }
0x124: {  	[hbm4b:s0+s3] =	stream.linear.scatter [tilespmem:s23], [sflag:$0x7], $0x190, $0x38;
	[tilespmem:$0x1E140] =	vst v63  }
0x125: {  	_ =	swait.ge [sflag:s16], $0x6400  }
0x126: {  	[sflag:s16] =	ssyncset.done $0x0  }
0x127: {  	[sflag:s16] =	ssyncadd.s32 $0xFFFF9C00  }
0x128: {  	_ =	swait.ge [sflag:s17], $0x6400  }
0x129: {  	[sflag:s17] =	ssyncset.done $0x0  }
0x12a: {  	[sflag:s17] =	ssyncadd.s32 $0xFFFF9C00  }
0x12b: {  	_ =	swait.ge [sflag:s24], $0x190  }
0x12c: {  	[sflag:s24] =	ssyncset.done $0x0  }
0x12d: {  	s28 =	simm.s32 $0x0;
	[sflag:s24] =	ssyncadd.s32 $0xFFFFFE70  }
.LBB2_12:
0x12e: {  	s0 =	sshll.u32 s28, $0x4  }
0x12f: {  	s1 =	simm.s32 $0x3;
	v3 =	vmov s0  }
0x130: {  	v4 =	vadd.s32 s1, v0;
	v3 =	vshll.u32 v3, $0x6  }
0x131: {  	s7 =	simm.s32 $0x1;
	v4 =	vand.u32 $0x3F, v4;
	v3 =	vor.u32 v1, v3  }
0x132: {  	v6 =	vadd.s32 s7, v0;
	v5 =	vor.u32 v3, v4  }
0x133: {  	s30 =	simm.s32 $0xD;
	v6 =	vand.u32 $0x3F, v6  }
0x134: {  	s31 =	simm.s32 $0x2;
	v15 =	vadd.s32 s30, v0;
	v6 =	vor.u32 v3, v6  }
0x135: {  	s8 =	simm.s32 $0xF;
	v16 =	vadd.s32 s31, v0;
	v15 =	vand.u32 $0x3F, v15  }
0x136: {  	v19 =	vadd.s32 s8, v0;
	v16 =	vand.u32 $0x3F, v16;
	v15 =	vor.u32 v3, v15  }
0x137: {  	s25 =	simm.s32 $0x8;
	v19 =	vand.u32 $0x3F, v19;
	v16 =	vor.u32 v3, v16;
	v10 =	vld.idx.msk [tilespmem:v5+s14+$0x0], $0xffff  }
0x138: {  	v8 =	vadd.s32 s25, v0;
	s25 =	simm.s32 $0xB;
	v19 =	vor.u32 v3, v19;
	v11 =	vld.idx.msk [tilespmem:v5+s15+$0x0], $0xffff  }
0x139: {  	s10 =	simm.s32 $0x4;
	v25 =	vadd.s32 s25, v0;
	v14 =	vld.idx.msk [tilespmem:v6+s15+$0x0], $0xffff  }
0x13a: {  	v25 =	vand.u32 $0x3F, v25;
	v4 =	vadd.s32 s10, v0;
	v6 =	vld.idx.msk [tilespmem:v6+s14+$0x0], $0xffff  }
0x13b: {  	s12 =	simm.s32 $0x9;
	v25 =	vor.u32 v3, v25;
	v4 =	vand.u32 $0x3F, v4;
	v29 =	vld.idx.msk [tilespmem:v15+s15+$0x0], $0xffff  }
0x13c: {  	v7 =	vor.u32 v3, v4;
	v4 =	vadd.s32 s12, v0;
	v31 =	vld.idx.msk [tilespmem:v16+s15+$0x0], $0xffff  }
0x13d: {  	v9 =	vand.u32 $0x3F, v4;
	v34 =	vld.idx.msk [tilespmem:v19+s14+$0x0], $0xffff  }
0x13e: {  	v8 =	vand.u32 $0x38, v8;
	v4 =	vor.u32 v2, v3;
	v9 =	vor.u32 v3, v9;
	v38 =	vld.idx.msk [tilespmem:v19+s15+$0x0], $0xffff  }
0x13f: {  	s9 =	simm.s32 $0x5;
	v8 =	vor.u32 v8, v4;
	v16 =	vld.idx.msk [tilespmem:v16+s14+$0x0], $0xffff  }
0x140: {  	v18 =	vimm.f32 $0.0e+00;
	v21 =	vadd.s32 s9, v0;
	s31 =	simm.s32 $0xE;
	s12 =	simm.s32 $0x6;
	v43 =	vld.idx.msk [tilespmem:v25+s15+$0x0], $0xffff  }
0x141: {  	v21 =	vand.u32 $0x3F, v21;
	v35 =	vadd.s32 s31, v0;
	v23 =	vadd.s32 s12, v0;
	v12 =	vld.idx.msk [tilespmem:v7+s15+$0x0], $0xffff  }
0x142: {  	s29 =	simm.s32 $0x0;
	s30 =	simm.s32 $0xC;
	v26 =	vor.u32 v3, v21;
	v23 =	vand.u32 $0x3F, v23;
	v5 =	vor.u32 v0, v3;
	v7 =	vld.idx.msk [tilespmem:v7+s14+$0x0], $0xffff  }
0x143: {  	s10 =	simm.s32 $0x7;
	v32 =	vor.u32 v3, v23;
	v23 =	vadd.s32 s30, v0;
	v13 =	vor.u32 s29, v5;
	v17 =	vld.idx.msk [tilespmem:v9+s15+$0x0], $0xffff  }
0x144: {  	v35 =	vand.u32 $0x3F, v35;
	v22 =	vadd.s32 s10, v0;
	v23 =	vand.u32 $0x3F, v23;
	v20 =	vld.idx.msk [tilespmem:v8+s14+$0x0], $0xffff  }
0x145: {  	v35 =	vor.u32 v3, v35;
	v22 =	vand.u32 $0x3F, v22;
	s29 =	simm.s32 $0xA;
	v33 =	vor.u32 v3, v23;
	v9 =	vld.idx.msk [tilespmem:v9+s14+$0x0], $0xffff  }
0x146: {  	v36 =	vor.u32 v3, v22;
	v27 =	vld.idx.msk [tilespmem:v8+s15+$0x0], $0xffff;
	v8 =	vadd.s32 s29, v0;
	v21 =	vshll.u32 v10, $0x10  }
0x147: {  	v28 =	vshll.u32 v11, $0x10;
	v8 =	vand.u32 $0x3F, v8;
	v11 =	vmul.f32 v11, v10;
	v10 =	vld.idx.msk [tilespmem:v26+s15+$0x0], $0xffff  }
0x148: {  	v30 =	vshll.u32 v6, $0x10;
	v42 =	vshll.u32 v29, $0x10;
	v61 =	vshll.u32 v38, $0x10;
	v24 =	vld.idx.msk [tilespmem:v13+s14+$0x0], $0xffff  }
0x149: {  	v28 =	vmul.f32 v28, v21;
	v8 =	vor.u32 v3, v8;
	v21 =	vshll.u32 v14, $0x10;
	v13 =	vld.idx.msk [tilespmem:v13+s15+$0x0], $0xffff  }
0x14a: {  	v14 =	vmul.f32 v14, v6;
	v21 =	vmul.f32 v21, v30;
	v30 =	vshll.u32 v12, $0x10;
	v41 =	vld.idx.msk [tilespmem:v33+s14+$0x0], $0xffff  }
0x14b: {  	v40 =	vmul.f32 v12, v7;
	v44 =	vld.idx.msk [tilespmem:v33+s15+$0x0], $0xffff;
	v33 =	vshll.u32 v43, $0x10;
	v6 =	vmul.f32 v17, v9  }
0x14c: {  	v39 =	vld.idx.msk [tilespmem:v32+s15+$0x0], $0xffff;
	v9 =	vshll.u32 v9, $0x10;
	v12 =	vshll.u32 v17, $0x10;
	v22 =	vadd.f32 v21, v18  }
0x14d: {  	v9 =	vmul.f32 v12, v9;
	v12 =	vshll.u32 v31, $0x10;
	v21 =	vshll.u32 v10, $0x10  }
0x14e: {  	v15 =	vld.idx.msk [tilespmem:v15+s14+$0x0], $0xffff;
	v23 =	vshll.u32 v24, $0x10;
	v19 =	vshll.u32 v13, $0x10;
	v13 =	vmul.f32 v13, v24  }
0x14f: {  	v17 =	vld.idx.msk [tilespmem:v25+s14+$0x0], $0xffff;
	v24 =	vshll.u32 v7, $0x10;
	v7 =	vadd.f32 v14, v18;
	v14 =	vshll.u32 v34, $0x10  }
0x150: {  	v37 =	vld.idx.msk [tilespmem:v8+s14+$0x0], $0xffff;
	v22 =	vadd.f32 v28, v22;
	v19 =	vmul.f32 v19, v23;
	v60 =	vmul.f32 v30, v24  }
0x151: {  	v23 =	vld.idx.msk [tilespmem:v8+s15+$0x0], $0xffff;
	v8 =	vshll.u32 v16, $0x10;
	v30 =	vshll.u32 v39, $0x10;
	v63 =	vshll.u32 v41, $0x10  }
0x152: {  	v62 =	vld.idx.msk [tilespmem:v35+s15+$0x0], $0xffff;
	v13 =	vadd.f32 v13, v18;
	v28 =	vmul.f32 v12, v8;
	v8 =	vshll.u32 v20, $0x10  }
0x153: {  	v32 =	vld.idx.msk [tilespmem:v32+s14+$0x0], $0xffff;
	v12 =	vmul.f32 v31, v16;
	v16 =	vshll.u32 v27, $0x10;
	v31 =	vshll.u32 v15, $0x10  }
0x154: {  	v18 =	vadd.f32 v19, v18;
	v19 =	vadd.f32 v11, v7;
	v11 =	vld.idx.msk [tilespmem:v36+s14+$0x0], $0xffff;
	v7 =	vmul.f32 v38, v34  }
0x155: {  	v36 =	vld.idx.msk [tilespmem:v36+s15+$0x0], $0xffff;
	v25 =	vshll.u32 v17, $0x10;
	v24 =	vmul.f32 v16, v8;
	v8 =	vmul.f32 v61, v14  }
0x156: {  	v17 =	vmul.f32 v43, v17;
	v16 =	vmul.f32 v29, v15;
	v13 =	vadd.f32 v12, v13  }
0x157: {  	v15 =	vshll.u32 v44, $0x10;
	v12 =	vmul.f32 v27, v20;
	v27 =	vld.idx.msk [tilespmem:v35+s14+$0x0], $0xffff;
	v20 =	vadd.f32 v28, v18  }
0x158: {  	v29 =	vshll.u32 v62, $0x10;
	v35 =	vld.idx.msk [tilespmem:v26+s14+$0x0], $0xffff;
	v26 =	vmul.f32 v15, v63;
	v18 =	vadd.f32 v40, v13  }
0x159: {  	v14 =	vmul.f32 v23, v37;
	v13 =	vmul.f32 v44, v41;
	v34 =	vadd.f32 v60, v20  }
0x15a: {  	v20 =	vmul.f32 v39, v32;
	v45 =	vshll.u32 v11, $0x10;
	v28 =	vmul.f32 v36, v11  }
0x15b: {  	v11 =	vmul.f32 v42, v31;
	v31 =	vshll.u32 v36, $0x10;
	v36 =	vshll.u32 v32, $0x10  }
0x15c: {  	s8 =	simm.s32 $0x1F;
	v32 =	vshll.u32 v37, $0x10;
	v31 =	vmul.f32 v31, v45;
	v15 =	vmul.f32 v62, v27  }
.LBB2_13:
0x15d: {  	s7 =	sadd.s32 $0xFFFFFFF1, s8  }
0x15e: {  	s1 =	sadd.s32 $0xFFFFFFF2, s8;
	s9 =	sadd.s32 $0xFFFFFFF4, s8;
	v37 =	vadd.s32 s8, v0;
	v30 =	vmul.f32 v30, v36;
	v23 =	vshll.u32 v23, $0x10;
	s12 =	smov.u32 s8  }
0x15f: {  	v39 =	vshll.u32 v35, $0x10;
	v36 =	vadd.s32 s1, v0;
	s10 =	sadd.s32 $0xFFFFFFF3, s12;
	v38 =	vadd.s32 s9, v0;
	s9 =	sadd.s32 $0xFFFFFFF8, s12;
	s1 =	sadd.s32 $0x10, s8  }
0x160: {  	p0 =	sne.s32 s8, $0x3F;
	v10 =	vmul.f32 v10, v35;
	v36 =	vand.u32 $0x3F, v36;
	v38 =	vand.u32 $0x3F, v38  }
0x161: {  	s8 =	sadd.s32 $0xFFFFFFF5, s12;
	s25 =	sadd.s32 $0xFFFFFFF6, s12;
	v21 =	vmul.f32 v21, v39;
	v35 =	vor.u32 v3, v36;
	v36 =	vor.u32 v3, v38  }
0x162: {  	v25 =	vmul.f32 v33, v25;
	v39 =	vadd.s32 s8, v0;
	v38 =	vadd.s32 s10, v0  }
0x163: {  	s8 =	sadd.s32 $0xFFFFFFF9, s12;
	v33 =	vand.u32 $0x3F, v39;
	v39 =	vadd.s32 s25, v0;
	v21 =	vadd.f32 v21, v22  }
0x164: {  	v10 =	vadd.f32 v10, v19;
	v22 =	vor.u32 v3, v33;
	v33 =	vadd.s32 s8, v0;
	s8 =	sadd.s32 $0xFFFFFFFA, s12  }
0x165: {  	v27 =	vshll.u32 v27, $0x10;
	v19 =	vand.u32 $0x38, v33;
	v33 =	vadd.s32 s8, v0  }
0x166: {  	v30 =	vadd.f32 v30, v34;
	s8 =	sadd.s32 $0xFFFFFFF7, s12;
	v19 =	vor.u32 v19, v4;
	v33 =	vand.u32 $0x3F, v33  }
0x167: {  	v23 =	vmul.f32 v23, v32;
	v40 =	vadd.s32 s9, v0;
	s9 =	sadd.s32 $0xFFFFFFFC, s12;
	v33 =	vor.u32 v3, v33;
	v34 =	vld.idx.msk [tilespmem:v36+s14+$0x0], $0xffff  }
0x168: {  	v27 =	vmul.f32 v29, v27;
	v24 =	vadd.f32 v24, v30;
	v32 =	vld.idx.msk [tilespmem:v36+s15+$0x0], $0xffff;
	v36 =	vadd.s32 s8, v0  }
0x169: {  	v37 =	vand.u32 $0x3F, v37;
	v30 =	vadd.s32 s9, v0;
	v21 =	vadd.f32 v31, v21;
	s8 =	sadd.s32 $0xFFFFFFFE, s12;
	v29 =	vld.idx.msk [tilespmem:v22+s15+$0x0], $0xffff  }
0x16a: {  	v10 =	vadd.f32 v28, v10;
	v31 =	vor.u32 s7, v5;
	v42 =	vadd.s32 s8, v0;
	v41 =	vld.idx.msk [tilespmem:v35+s15+$0x0], $0xffff  }
0x16b: {  	s7 =	sadd.s32 $0xFFFFFFFB, s12;
	v23 =	vadd.f32 v23, v24;
	v28 =	vld.idx.msk [tilespmem:v35+s14+$0x0], $0xffff;
	v35 =	vand.u32 $0x3F, v38;
	v38 =	vand.u32 $0x3F, v39  }
0x16c: {  	v9 =	vadd.f32 v9, v21;
	v42 =	vand.u32 $0x3F, v42;
	v39 =	vadd.s32 s7, v0;
	v24 =	vld.idx.msk [tilespmem:v33+s15+$0x0], $0xffff  }
0x16d: {  	v21 =	vor.u32 v3, v35;
	v35 =	vand.u32 $0x3F, v39;
	v39 =	vor.u32 v3, v42;
	v43 =	vld.idx.msk [tilespmem:v19+s14+$0x0], $0xffff  }
0x16e: {  	v42 =	vshll.u32 v34, $0x10;
	v38 =	vor.u32 v3, v38;
	v44 =	vshll.u32 v32, $0x10;
	v33 =	vld.idx.msk [tilespmem:v33+s14+$0x0], $0xffff  }
0x16f: {  	v36 =	vand.u32 $0x3F, v36;
	v35 =	vor.u32 v3, v35;
	v42 =	vmul.f32 v44, v42;
	v45 =	vld.idx.msk [tilespmem:v31+s14+$0x0], $0xffff  }
0x170: {  	v23 =	vadd.f32 v26, v23;
	v44 =	vshll.u32 v41, $0x10;
	v46 =	vld.idx.msk [tilespmem:v19+s15+$0x0], $0xffff;
	v19 =	vor.u32 v3, v37  }
0x171: {  	v6 =	vadd.f32 v6, v10;
	v26 =	vshll.u32 v28, $0x10;
	v28 =	vmul.f32 v41, v28;
	v22 =	vld.idx.msk [tilespmem:v22+s14+$0x0], $0xffff  }
0x172: {  	v27 =	vadd.f32 v27, v23;
	v36 =	vor.u32 v3, v36;
	s7 =	sadd.s32 $0xFFFFFFFD, s12;
	v26 =	vmul.f32 v44, v26;
	v37 =	vld.idx.msk [tilespmem:v39+s15+$0x0], $0xffff  }
0x173: {  	v17 =	vadd.f32 v17, v6;
	v23 =	vadd.s32 s7, v0;
	v32 =	vmul.f32 v32, v34;
	v41 =	vld.idx.msk [tilespmem:v21+s15+$0x0], $0xffff  }
0x174: {  	v18 =	vadd.f32 v20, v18;
	v30 =	vand.u32 $0x3F, v30;
	v6 =	vmul.f32 v24, v33;
	v31 =	vld.idx.msk [tilespmem:v31+s15+$0x0], $0xffff  }
0x175: {  	v16 =	vadd.f32 v16, v17;
	v23 =	vand.u32 $0x3F, v23;
	v20 =	vshll.u32 v29, $0x10;
	v10 =	vld.idx.msk [tilespmem:v38+s15+$0x0], $0xffff  }
0x176: {  	v12 =	vadd.f32 v12, v18;
	v17 =	vor.u32 v3, v30;
	s7 =	sadd.s32 $0xFFFFFFFF, s12;
	v30 =	vor.u32 v3, v23;
	v34 =	vld.idx.msk [tilespmem:v39+s14+$0x0], $0xffff  }
0x177: {  	v9 =	vadd.f32 v25, v9;
	v23 =	vadd.s32 s7, v0;
	v18 =	vshll.u32 v45, $0x10;
	v39 =	vld.idx.msk [tilespmem:v19+s14+$0x0], $0xffff  }
0x178: {  	v12 =	vadd.f32 v14, v12;
	v25 =	vand.u32 $0x3F, v40;
	v23 =	vand.u32 $0x3F, v23;
	v40 =	vld.idx.msk [tilespmem:v35+s14+$0x0], $0xffff  }
0x179: {  	v14 =	vor.u32 v3, v25;
	v11 =	vadd.f32 v11, v9;
	v44 =	vor.u32 v3, v23;
	v47 =	vld.idx.msk [tilespmem:v19+s15+$0x0], $0xffff  }
0x17a: {  	v12 =	vadd.f32 v13, v12;
	v9 =	vshll.u32 v31, $0x10;
	v19 =	vmul.f32 v31, v45;
	v31 =	vld.idx.msk [tilespmem:v36+s15+$0x0], $0xffff  }
0x17b: {  	v7 =	vadd.f32 v7, v16;
	v13 =	vmul.f32 v9, v18;
	v9 =	vshll.u32 v33, $0x10;
	v18 =	vld.idx.msk [tilespmem:v17+s14+$0x0], $0xffff  }
0x17c: {  	v12 =	vadd.f32 v15, v12;
	v29 =	vmul.f32 v29, v22;
	v16 =	vld.idx.msk [tilespmem:v21+s14+$0x0], $0xffff;
	v21 =	vshll.u32 v24, $0x10  }
0x17d: {  	v8 =	vadd.f32 v8, v11;
	v15 =	vshll.u32 v22, $0x10;
	v9 =	vmul.f32 v21, v9;
	v45 =	vld.idx.msk [tilespmem:v30+s14+$0x0], $0xffff  }
0x17e: {  	v7 =	vadd.f32 v28, v7;
	v11 =	vshll.u32 v41, $0x10;
	v28 =	vshll.u32 v39, $0x10;
	v23 =	vld.idx.msk [tilespmem:v35+s15+$0x0], $0xffff  }
0x17f: {  	v8 =	vadd.f32 v26, v8;
	v12 =	vadd.f32 v19, v12;
	v21 =	vshll.u32 v10, $0x10;
	v26 =	vld.idx.msk [tilespmem:v30+s15+$0x0], $0xffff  }
0x180: {  	v19 =	vadd.f32 v32, v7;
	v13 =	vadd.f32 v13, v27;
	v7 =	vmul.f32 v47, v39;
	v32 =	vld.idx.msk [tilespmem:v14+s14+$0x0], $0xffff  }
0x181: {  	v22 =	vadd.f32 v42, v8;
	v15 =	vmul.f32 v20, v15;
	v20 =	vshll.u32 v37, $0x10;
	v14 =	vld.idx.msk [tilespmem:v14+s15+$0x0], $0xffff  }
0x182: {  	v30 =	vshll.u32 v31, $0x10;
	v25 =	vshll.u32 v18, $0x10;
	v8 =	vshll.u32 v16, $0x10;
	v33 =	vld.idx.msk [tilespmem:v17+s15+$0x0], $0xffff  }
0x183: {  	v11 =	vmul.f32 v11, v8;
	v8 =	vshll.u32 v43, $0x10;
	v17 =	vshll.u32 v34, $0x10;
	v27 =	vld.idx.msk [tilespmem:v44+s14+$0x0], $0xffff  }
0x184: {  	v24 =	vshll.u32 v46, $0x10;
	v35 =	vshll.u32 v47, $0x10;
	v16 =	vmul.f32 v41, v16;
	v39 =	vld.idx.msk [tilespmem:v36+s14+$0x0], $0xffff  }
0x185: {  	v24 =	vmul.f32 v24, v8;
	v8 =	vmul.f32 v35, v28;
	v41 =	vld.idx.msk [tilespmem:v44+s15+$0x0], $0xffff  }
0x186: {  	v36 =	vadd.f32 v16, v12;
	v12 =	vmul.f32 v46, v43;
	v35 =	vld.idx.msk [tilespmem:v38+s14+$0x0], $0xffff;
	v38 =	vshll.u32 v32, $0x10  }
0x187: {  	v42 =	vadd.f32 v11, v13;
	v11 =	vmul.f32 v20, v17;
	v28 =	vmul.f32 v14, v32  }
0x188: {  	v16 =	vmul.f32 v37, v34;
	v32 =	vshll.u32 v14, $0x10;
	v17 =	vmul.f32 v33, v18  }
.Ltmp5:
0x189: {  	v14 =	vmul.f32 v23, v40;
	v18 =	vadd.f32 v29, v36;
	(pc) =	sbr.rel @p0 .LBB2_13-.Ltmp5, $4  }
0x18a: {  	v37 =	vshll.u32 v26, $0x10;
	v33 =	vshll.u32 v33, $0x10;
	v36 =	vshll.u32 v39, $0x10  }
0x18b: {  	v43 =	vshll.u32 v45, $0x10;
	v13 =	vmul.f32 v26, v45;
	v29 =	vshll.u32 v41, $0x10  }
0x18c: {  	v34 =	vadd.f32 v15, v42;
	v20 =	vmul.f32 v31, v39;
	v31 =	vmul.f32 v32, v38  }
0x18d: {  	s8 =	smov.u32 s1;
	v26 =	vmul.f32 v37, v43;
	v32 =	vshll.u32 v40, $0x10;
	v15 =	vmul.f32 v41, v27  }
0x18e: {  	v4 =	vshll.u32 v35, $0x10  }
0x18f: {  	v3 =	vmul.f32 v10, v35;
	v4 =	vmul.f32 v21, v4  }
0x190: {  	v5 =	vmul.f32 v30, v36  }
0x191: {  	v3 =	vadd.f32 v3, v19;
	v4 =	vadd.f32 v4, v22  }
0x192: {  	v18 =	vadd.f32 v20, v18;
	v5 =	vadd.f32 v5, v34  }
0x193: {  	v58 =	vshll.u32 v23, $0x10;
	v3 =	vadd.f32 v28, v3;
	v4 =	vadd.f32 v31, v4  }
0x194: {  	v10 =	vmul.f32 v58, v32;
	v60 =	vadd.f32 v12, v18;
	v5 =	vadd.f32 v24, v5  }
0x195: {  	v59 =	vmul.f32 v33, v25;
	v3 =	vadd.f32 v6, v3;
	v4 =	vadd.f32 v9, v4  }
0x196: {  	v62 =	vadd.f32 v14, v60;
	v5 =	vadd.f32 v10, v5  }
0x197: {  	v61 =	vshll.u32 v27, $0x10;
	v3 =	vadd.f32 v17, v3;
	v4 =	vadd.f32 v59, v4  }
0x198: {  	v63 =	vmul.f32 v29, v61;
	v6 =	vadd.f32 v13, v62;
	v5 =	vadd.f32 v26, v5  }
0x199: {  	v3 =	vadd.f32 v16, v3;
	v4 =	vadd.f32 v11, v4  }
0x19a: {  	v6 =	vadd.f32 v15, v6;
	v5 =	vadd.f32 v63, v5  }
0x19b: {  	s28 =	sadd.s32 $0x1, s28;
	v3 =	vadd.f32 v7, v3;
	v4 =	vadd.f32 v8, v4  }
0x19c: {  	p0 =	sne.s32 s28, $0x19  }
.Ltmp6:
0x19d: {  	v5 =	vadd.f32 v6, v5;
	v3 =	vadd.f32 v3, v4;
	(pc) =	sbr.rel @p0 .LBB2_12-.Ltmp6, $3  }
0x19e: {  	_ = 	snop  }
0x19f: {  	v3 =	vadd.f32 v3, v5;
	_ =	sdelay $0x1  }
0x1a0: {  	[tilespmem:s0+$0x1DE20] =	vst v3  }
0x1a1: {  	s0 =	rddreg [dreg:$0x4]  }
0x1a2: {  	[hbm4b:s0+s3] =	stream.linear.scatter [tilespmem:s20], [sflag:$0x6], $0x190, $0x38;
	[tilespmem:$0x1E140] =	vst v63  }
0x1a3: {  	_ =	swait.ge [sflag:s24], $0x190  }
0x1a4: {  	[sflag:s24] =	ssyncset.done $0x0  }
0x1a5: {  	s1 =	simm.s32 $0x7;
	[sflag:s24] =	ssyncadd.s32 $0xFFFFFE70  }
0x1a6: {  	_ =	swait.ge [sflag:s1], $0x190  }
0x1a7: {  	s26 =	sadd.s32 $0x1, s26;
	s31 =	rddreg [dreg:$0x5]  }
0x1a8: {  	p0 =	sne.s32 s26, s31  }
.Ltmp7:
0x1a9: {  	_ = 	snop;
	(pc) =	sbr.rel @p0 .LBB2_1-.Ltmp7, $3  }
0x1aa: {  	_ =	sdelay $0x1  }
0x1ab: {  	[sflag:s1] =	ssyncset.done $0x0  }
0x1ac: {  	[sflag:s1] =	ssyncadd.s32 $0xFFFFFE70  }
0x1ad: {  	_ =	sfence.sel $0x180000  }
0x1ae: {  	[bflag:$0x0] =	sbarrier.arrive $0xFFFF  }
0x1af: {  	_ =	strace $0x90000047  }
0x1b0: {  	s0 =	stileid.u32;
	[bflag:$0x2] =	sbarrier.arrive $0xFFFF  }
0x1b1: {  	p0 =	sne.s32 s0, $0x0;
	s0 =	rddreg [dreg:$0x1]  }
0x1b2: {  	s0 =	sadd.s32 @!p0 $0x100000, s0  }
0x1b3: {  	[sflag:s0] =	ssyncadd.tile.s32 @!p0 $0x1;
	_ =	shalt  }
.Lfunc_end2:
_tile_overlayer_lowered:
.L_overlay_start_2:
0x1b4: {  	(tag) =	ssettag $0x2  }
0x1b5: {  	s0 =	rddreg [dreg:$0x0];
	s2 =	stileid.u32  }
0x1b6: {  	s1 =	rddreg [dreg:$0x1];
	p0 =	sne.s32 s2, $0x0  }
0x1b7: {  	s3 =	rddreg [dreg:$0x2];
	[bflag:$0x3] =	sbarrier.arrive $0xFFFF;
	s2 =	simm.s32 @!p0 $0x1C08  }
0x1b8: {  	[timem:s3], [sflag:s2] =	dma.local @!p0 [hbm:s0], s1  }
0x1b9: {  	s0 =	simm.s32 @!p0 $0x8  }
0x1ba: {  	_ =	swait.ge @!p0 [sflag:s0], s1  }
0x1bb: {  	s1 =	ssub.s32 @!p0 $0x0, s1;
	[sflag:s0] =	ssyncset.done @!p0 $0x0  }
0x1bc: {  	[sflag:s0] =	ssyncadd.s32 @!p0 s1  }
0x1bd: {  	[bflag:$0x3] =	sbarrier.arrive $0xFFFF  }
0x1be: {  	_ =	shalt  }

</sc_bundles>
